<compile_context>
chip_gen: v7x
topology: tpu7x:2x2x1
jax: 0.10.2.dev20260603
libtpu: 0.0.44.dev20260713+nightly
codegen_flags: <defaults>
</compile_context>

<pallas_src>
import functools

import jax
import jax.numpy as jnp
from jax import lax
from jax.experimental import pallas as pl
from jax.experimental.pallas import tpu as pltpu
from jax.experimental.pallas import tpu_sc as plsc

N_CLS = 1000
SEQ = 77
D = 512
N_CTX = 16
NGPOS = SEQ - N_CTX
NC, NS = 2, 16
NW = NC * NS
CPW = 32
NCTX_CHUNKS = N_CTX * 4


def _make_sc_call():
    mesh = plsc.VectorSubcoreMesh(
        core_axis_name="c", subcore_axis_name="s", num_cores=NC, num_subcores=NS
    )

    @functools.partial(
        pl.kernel,
        mesh=mesh,
        out_type=jax.ShapeDtypeStruct((SEQ, N_CLS, D), jnp.float32),
        scratch_types=[
            pltpu.VMEM((SEQ, 1, CPW), jnp.int32),
            pltpu.VMEM((8 * N_CTX, D), jnp.float32),
            pltpu.VMEM((CPW, D), jnp.float32),
            pltpu.VMEM((CPW, D), jnp.float32),
            pltpu.SemaphoreType.DMA,
            pltpu.SemaphoreType.DMA,
        ],
    )
    def sc_kernel(idx_hbm, table_hbm, cbig_hbm, out_hbm,
                  idx_v, cb_v, gb0, gb1, sg0, sg1):
        wid = lax.axis_index("s") * NC + lax.axis_index("c")
        gb = (gb0, gb1)
        sg = (sg0, sg1)
        base = wid * CPW

        pltpu.sync_copy(idx_hbm.at[wid], idx_v)
        pltpu.sync_copy(cbig_hbm, cb_v)

        def gpos(i):
            return jnp.where(i == 0, 0, N_CTX + i)

        def gather(i, b):
            return pltpu.make_async_copy(
                table_hbm.at[idx_v.at[gpos(i), 0]], gb[b], sg[b]
            )

        def write_gather(i, b):
            r = gpos(i)

            @pl.when(base + CPW <= N_CLS)
            def _():
                pltpu.sync_copy(gb[b], out_hbm.at[r].at[pl.ds(base, CPW)])

            @pl.when(base + CPW > N_CLS)
            def _():
                pltpu.sync_copy(
                    gb[b].at[pl.ds(0, 8)],
                    out_hbm.at[r].at[pl.ds(base, 8)],
                )

        def write_ctx_chunk(q):
            j = q // 4
            off8 = (q % 4) * 8

            @pl.when(base + off8 + 8 <= N_CLS)
            def _():
                pltpu.sync_copy(
                    cb_v.at[pl.ds(j * 8, 8)],
                    out_hbm.at[1 + j].at[pl.ds(base + off8, 8)],
                )

        gather(0, 0).start()

        def body(jj, carry):
            for b in (0, 1):
                i = 2 * jj + b
                gather(i + 1, 1 - b).start()
                gather(i, b).wait()
                write_gather(i, b)
                write_ctx_chunk(i)
            return carry

        lax.fori_loop(0, (NGPOS - 1) // 2, body, 0)
        gather(NGPOS - 1, 0).wait()
        write_gather(NGPOS - 1, 0)
        for q in range(NGPOS - 1, NCTX_CHUNKS):
            write_ctx_chunk(q)

    return sc_kernel


_sc_call = _make_sc_call()


def kernel(tokenized_prompts, token_embedding, ctx):
    tok = tokenized_prompts.astype(jnp.int32)
    tokp = jnp.concatenate([tok, tok[: NW * CPW - N_CLS]], axis=0)
    gidx = tokp.reshape(NW, CPW, SEQ).transpose(0, 2, 1)
    gidx = gidx.reshape(NW, SEQ, 1, CPW)
    cbig = jnp.repeat(ctx, 8, axis=0)
    out77 = _sc_call(gidx, token_embedding, cbig)
    return out77.transpose(1, 0, 2)

# --- scband reference (transcript-rebuilt; emitter-appended) ---
"""Pipeline reference for scband-prompt-learner-22428319220466 (READ-ONLY COPY).

The authoritative reference and input builder live on the scoring server;
editing this copy changes nothing except your own understanding.
"""

import jax, jax.numpy as jnp
import numpy as np

N_CTX = 16

def setup_inputs(seed: int = 0) -> dict:
    key = jax.random.key(seed)
    k1, k2, k3 = jax.random.split(key, 3)
    tokenized_prompts = jax.random.randint(k1, (1000, 77), 0, 49408, dtype=jnp.int64 if jax.config.jax_enable_x64 else jnp.int32)
    token_embedding = jax.random.normal(k2, (49408, 512), dtype=jnp.float32) * 0.02
    ctx = jax.random.normal(k3, (16, 512), dtype=jnp.float32) * 0.02
    return {"tokenized_prompts": tokenized_prompts, "token_embedding": token_embedding, "ctx": ctx}

def reference(tokenized_prompts, token_embedding, ctx):
    # Faithful translation of PromptLearner: token embedding lookup of the
    # tokenized class prompts, then splice learnable ctx vectors between the
    # SOS prefix and the class-name suffix (class_token_position == 'end').
    embedding = jnp.take(token_embedding, tokenized_prompts, axis=0)  # [n_cls, 77, ctx_dim]
    prefix = embedding[:, :1, :]                 # SOS token embedding
    suffix = embedding[:, 1 + N_CTX:, :]         # class tokens + EOS + padding
    n_cls = embedding.shape[0]
    ctx_expanded = jnp.broadcast_to(ctx[None, :, :], (n_cls, N_CTX, ctx.shape[-1]))
    prompts = jnp.concatenate([prefix, ctx_expanded, suffix], axis=1)  # [n_cls, 77, ctx_dim]
    return prompts

if __name__ == "__main__":
    import jax
    _d = setup_inputs()
    print(jax.jit(kernel)(*tuple(_d.values())))

</pallas_src>

<mosaic_0001>
#map = affine_map<(d0, d1) -> (0, 0, 0, 0)>
#map1 = affine_map<(d0, d1) -> (0, 0)>
#map2 = affine_map<(d0, d1) -> (0, 0, 0)>
module attributes {stable_mosaic.version = 14 : i64} {
  func.func @sc_kernel(%arg0: i32, %arg1: i32, %arg2: memref<32x77x1x32xi32, #tpu.memory_space<hbm>>, %arg3: memref<49408x512xf32, #tpu.memory_space<hbm>>, %arg4: memref<128x512xf32, #tpu.memory_space<hbm>>, %arg5: memref<77x1000x512xf32, #tpu.memory_space<hbm>>, %arg6: memref<77x1x32xi32, #tpu.memory_space<vmem>>, %arg7: memref<128x512xf32, #tpu.memory_space<vmem>>, %arg8: memref<32x512xf32, #tpu.memory_space<vmem>>, %arg9: memref<32x512xf32, #tpu.memory_space<vmem>>, %arg10: memref<!tpu.dma_semaphore, #tpu.memory_space<semaphore_mem>>, %arg11: memref<!tpu.dma_semaphore, #tpu.memory_space<semaphore_mem>>) attributes {dimension_semantics = [#tpu.dimension_semantics<core_parallel>, #tpu.dimension_semantics<subcore_parallel>], iteration_bounds = array<i64: 2, 16>, scalar_prefetch = 0 : i64, scratch_operands = 6 : i64, tpu.core_type = #tpu.core_type<sc_vector_subcore>, window_params = [{transform_indices = #map}, {transform_indices = #map1}, {transform_indices = #map1}, {transform_indices = #map2}]} {
    %mul3A = arith.constant 2 : i32
    %mul3A_0 = arith.muli %arg1, %mul3A : i32
    %add3A = arith.addi %mul3A_0, %arg0 : i32
    %mul3A_1 = arith.constant 32 : i32
    %mul3A_2 = arith.muli %add3A, %mul3A_1 : i32
    "tpu.region"() ({
      %run_scoped3A = tpu.sem_alloc : memref<!tpu.dma_semaphore, #tpu.memory_space<semaphore_mem>>
      %dma_start3A_76 = arith.constant 0 : i32
      %dma_start3A_77 = arith.constant 0 : i32
      %dma_start3A_78 = arith.constant 0 : i32
      %dma_start3A_79 = tpu.memref_slice %arg2[%add3A, %dma_start3A_76, %dma_start3A_77, %dma_start3A_78] : memref<32x77x1x32xi32, #tpu.memory_space<hbm>> -> memref<1x77x1x32xi32, #tpu.memory_space<hbm>>
      %dma_start3A_80 = tpu.memref_squeeze %dma_start3A_79 : memref<1x77x1x32xi32, #tpu.memory_space<hbm>> -> memref<77x1x32xi32, #tpu.memory_space<hbm>>
      %dma_start3A_81 = arith.constant 0 : i32
      %dma_start3A_82 = arith.constant 0 : i32
      %dma_start3A_83 = arith.constant 0 : i32
      %dma_start3A_84 = tpu.memref_slice %arg2[%add3A, %dma_start3A_81, %dma_start3A_82, %dma_start3A_83] : memref<32x77x1x32xi32, #tpu.memory_space<hbm>> -> memref<1x77x1x32xi32, #tpu.memory_space<hbm>>
      %dma_start3A_85 = tpu.memref_squeeze %dma_start3A_84 : memref<1x77x1x32xi32, #tpu.memory_space<hbm>> -> memref<77x1x32xi32, #tpu.memory_space<hbm>>
      tpu.enqueue_dma source(%dma_start3A_85 : memref<77x1x32xi32, #tpu.memory_space<hbm>>) target(%arg6 : memref<77x1x32xi32, #tpu.memory_space<vmem>>) target_semaphore(%run_scoped3A : memref<!tpu.dma_semaphore, #tpu.memory_space<semaphore_mem>>)
      %dma_wait3A_86 = arith.constant 0 : i32
      %dma_wait3A_87 = arith.constant 0 : i32
      %dma_wait3A_88 = arith.constant 0 : i32
      %dma_wait3A_89 = tpu.memref_slice %arg2[%add3A, %dma_wait3A_86, %dma_wait3A_87, %dma_wait3A_88] : memref<32x77x1x32xi32, #tpu.memory_space<hbm>> -> memref<1x77x1x32xi32, #tpu.memory_space<hbm>>
      %dma_wait3A_90 = tpu.memref_squeeze %dma_wait3A_89 : memref<1x77x1x32xi32, #tpu.memory_space<hbm>> -> memref<77x1x32xi32, #tpu.memory_space<hbm>>
      %dma_wait3A_91 = arith.constant 0 : i32
      %dma_wait3A_92 = arith.constant 0 : i32
      %dma_wait3A_93 = arith.constant 0 : i32
      %dma_wait3A_94 = tpu.memref_slice %arg2[%add3A, %dma_wait3A_91, %dma_wait3A_92, %dma_wait3A_93] : memref<32x77x1x32xi32, #tpu.memory_space<hbm>> -> memref<1x77x1x32xi32, #tpu.memory_space<hbm>>
      %dma_wait3A_95 = tpu.memref_squeeze %dma_wait3A_94 : memref<1x77x1x32xi32, #tpu.memory_space<hbm>> -> memref<77x1x32xi32, #tpu.memory_space<hbm>>
      tpu.wait_dma2 semaphore(%run_scoped3A : memref<!tpu.dma_semaphore, #tpu.memory_space<semaphore_mem>>) src(%dma_wait3A_95 : memref<77x1x32xi32, #tpu.memory_space<hbm>>) dst(%arg6 : memref<77x1x32xi32, #tpu.memory_space<vmem>>)
      tpu.yield
    }) : () -> ()
    "tpu.region"() ({
      %run_scoped3A = tpu.sem_alloc : memref<!tpu.dma_semaphore, #tpu.memory_space<semaphore_mem>>
      tpu.enqueue_dma source(%arg4 : memref<128x512xf32, #tpu.memory_space<hbm>>) target(%arg7 : memref<128x512xf32, #tpu.memory_space<vmem>>) target_semaphore(%run_scoped3A : memref<!tpu.dma_semaphore, #tpu.memory_space<semaphore_mem>>)
      tpu.wait_dma2 semaphore(%run_scoped3A : memref<!tpu.dma_semaphore, #tpu.memory_space<semaphore_mem>>) src(%arg4 : memref<128x512xf32, #tpu.memory_space<hbm>>) dst(%arg7 : memref<128x512xf32, #tpu.memory_space<vmem>>)
      tpu.yield
    }) : () -> ()
    %jit3A = arith.constant true
    %jit3A_3 = arith.constant 0 : i32
    %jit3A_4 = arith.constant 16 : i32
    %select_n3A = arith.select %jit3A, %jit3A_3, %jit3A_4 : i32
    %dma_start3A = arith.constant 0 : i32
    %dma_start3A_5 = arith.constant 0 : i32
    %dma_start3A_6 = tpu.memref_slice %arg6[%select_n3A, %dma_start3A, %dma_start3A_5] : memref<77x1x32xi32, #tpu.memory_space<vmem>> -> memref<1x1x32xi32, #tpu.memory_space<vmem>>
    %dma_start3A_7 = tpu.memref_squeeze %dma_start3A_6 : memref<1x1x32xi32, #tpu.memory_space<vmem>> -> memref<32xi32, #tpu.memory_space<vmem>>
    %dma_start3A_8 = arith.constant 0 : i32
    %dma_start3A_9 = arith.constant 0 : i32
    %dma_start3A_10 = tpu.memref_slice %arg3[%dma_start3A_8, %dma_start3A_9] : memref<49408x512xf32, #tpu.memory_space<hbm>> -> memref<49408x512xf32, #tpu.memory_space<hbm>>
    tpu.enqueue_indirect_dma source(%dma_start3A_10 : memref<49408x512xf32, #tpu.memory_space<hbm>>) target(%arg8 : memref<32x512xf32, #tpu.memory_space<vmem>>) offsets(%dma_start3A_7 : memref<32xi32, #tpu.memory_space<vmem>>) semaphore(%arg10 : memref<!tpu.dma_semaphore, #tpu.memory_space<semaphore_mem>>)
    %scan3A = arith.constant 0 : i32
    %scan3A_11 = arith.constant 0 : i32
    %scan3A_12 = arith.constant 30 : i32
    %scan3A_13 = arith.addi %scan3A_11, %scan3A_12 : i32
    %scan3A_14 = arith.constant 1 : i32
    scf.for %scan3A_76 = %scan3A_11 to %scan3A_13 step %scan3A_14  : i32 {
      %mul3A_77 = arith.constant 2 : i32
      %mul3A_78 = arith.muli %mul3A_77, %scan3A_76 : i32
      %add3A_79 = arith.constant 0 : i32
      %add3A_80 = arith.addi %mul3A_78, %add3A_79 : i32
      %add3A_81 = arith.constant 1 : i32
      %add3A_82 = arith.addi %add3A_80, %add3A_81 : i32
      %eq3A = arith.constant 0 : i32
      %eq3A_83 = arith.cmpi eq, %add3A_82, %eq3A : i32
      %add3A_84 = arith.constant 16 : i32
      %add3A_85 = arith.addi %add3A_84, %add3A_82 : i32
      %jit3A_86 = arith.constant 0 : i32
      %select_n3A_87 = arith.select %eq3A_83, %jit3A_86, %add3A_85 : i32
      %dma_start3A_88 = arith.constant 0 : i32
      %dma_start3A_89 = arith.constant 0 : i32
      %dma_start3A_90 = tpu.memref_slice %arg6[%select_n3A_87, %dma_start3A_88, %dma_start3A_89] : memref<77x1x32xi32, #tpu.memory_space<vmem>> -> memref<1x1x32xi32, #tpu.memory_space<vmem>>
      %dma_start3A_91 = tpu.memref_squeeze %dma_start3A_90 : memref<1x1x32xi32, #tpu.memory_space<vmem>> -> memref<32xi32, #tpu.memory_space<vmem>>
      %dma_start3A_92 = arith.constant 0 : i32
      %dma_start3A_93 = arith.constant 0 : i32
      %dma_start3A_94 = tpu.memref_slice %arg3[%dma_start3A_92, %dma_start3A_93] : memref<49408x512xf32, #tpu.memory_space<hbm>> -> memref<49408x512xf32, #tpu.memory_space<hbm>>
      tpu.enqueue_indirect_dma source(%dma_start3A_94 : memref<49408x512xf32, #tpu.memory_space<hbm>>) target(%arg9 : memref<32x512xf32, #tpu.memory_space<vmem>>) offsets(%dma_start3A_91 : memref<32xi32, #tpu.memory_space<vmem>>) semaphore(%arg11 : memref<!tpu.dma_semaphore, #tpu.memory_space<semaphore_mem>>)
      %eq3A_95 = arith.constant 0 : i32
      %eq3A_96 = arith.cmpi eq, %add3A_80, %eq3A_95 : i32
      %add3A_97 = arith.constant 16 : i32
      %add3A_98 = arith.addi %add3A_97, %add3A_80 : i32
      %jit3A_99 = arith.constant 0 : i32
      %select_n3A_100 = arith.select %eq3A_96, %jit3A_99, %add3A_98 : i32
      %dma_wait3A_101 = arith.constant 0 : i32
      %dma_wait3A_102 = arith.constant 0 : i32
      %dma_wait3A_103 = tpu.memref_slice %arg6[%select_n3A_100, %dma_wait3A_101, %dma_wait3A_102] : memref<77x1x32xi32, #tpu.memory_space<vmem>> -> memref<1x1x32xi32, #tpu.memory_space<vmem>>
      %dma_wait3A_104 = tpu.memref_squeeze %dma_wait3A_103 : memref<1x1x32xi32, #tpu.memory_space<vmem>> -> memref<32xi32, #tpu.memory_space<vmem>>
      %dma_wait3A_105 = arith.constant 0 : i32
      %dma_wait3A_106 = arith.constant 0 : i32
      %dma_wait3A_107 = tpu.memref_slice %arg3[%dma_wait3A_105, %dma_wait3A_106] : memref<49408x512xf32, #tpu.memory_space<hbm>> -> memref<49408x512xf32, #tpu.memory_space<hbm>>
      tpu.wait_indirect_dma semaphore(%arg10 : memref<!tpu.dma_semaphore, #tpu.memory_space<semaphore_mem>>) src(%dma_wait3A_107 : memref<49408x512xf32, #tpu.memory_space<hbm>>) dst(%arg8 : memref<32x512xf32, #tpu.memory_space<vmem>>)
      %eq3A_108 = arith.constant 0 : i32
      %eq3A_109 = arith.cmpi eq, %add3A_80, %eq3A_108 : i32
      %add3A_110 = arith.constant 16 : i32
      %add3A_111 = arith.addi %add3A_110, %add3A_80 : i32
      %jit3A_112 = arith.constant 0 : i32
      %select_n3A_113 = arith.select %eq3A_109, %jit3A_112, %add3A_111 : i32
      %add3A_114 = arith.constant 32 : i32
      %add3A_115 = arith.addi %mul3A_2, %add3A_114 : i32
      %le3A_116 = arith.constant 1000 : i32
      %le3A_117 = arith.cmpi sle, %add3A_115, %le3A_116 : i32
      %convert_element_type3A_118 = arith.extui %le3A_117 : i1 to i32
      %cond3A_119 = arith.constant 0 : i32
      %cond3A_120 = arith.cmpi ne, %convert_element_type3A_118, %cond3A_119 : i32
      scf.if %cond3A_120 {
        "tpu.region"() ({
          %run_scoped3A = tpu.sem_alloc : memref<!tpu.dma_semaphore, #tpu.memory_space<semaphore_mem>>
          %dma_start3A_273 = arith.constant 0 : i32
          %dma_start3A_274 = arith.constant 0 : i32
          %dma_start3A_275 = tpu.memref_slice %arg5[%select_n3A_113, %dma_start3A_273, %dma_start3A_274] : memref<77x1000x512xf32, #tpu.memory_space<hbm>> -> memref<1x1000x512xf32, #tpu.memory_space<hbm>>
          %dma_start3A_276 = tpu.memref_squeeze %dma_start3A_275 : memref<1x1000x512xf32, #tpu.memory_space<hbm>> -> memref<1000x512xf32, #tpu.memory_space<hbm>>
          %dma_start3A_277 = arith.constant 0 : i32
          %dma_start3A_278 = tpu.memref_slice %dma_start3A_276[%mul3A_2, %dma_start3A_277] : memref<1000x512xf32, #tpu.memory_space<hbm>> -> memref<32x512xf32, #tpu.memory_space<hbm>>
          %dma_start3A_279 = arith.constant 0 : i32
          %dma_start3A_280 = arith.constant 0 : i32
          %dma_start3A_281 = tpu.memref_slice %arg5[%select_n3A_113, %dma_start3A_279, %dma_start3A_280] : memref<77x1000x512xf32, #tpu.memory_space<hbm>> -> memref<1x1000x512xf32, #tpu.memory_space<hbm>>
          %dma_start3A_282 = tpu.memref_squeeze %dma_start3A_281 : memref<1x1000x512xf32, #tpu.memory_space<hbm>> -> memref<1000x512xf32, #tpu.memory_space<hbm>>
          %dma_start3A_283 = arith.constant 0 : i32
          %dma_start3A_284 = tpu.memref_slice %dma_start3A_282[%mul3A_2, %dma_start3A_283] : memref<1000x512xf32, #tpu.memory_space<hbm>> -> memref<32x512xf32, #tpu.memory_space<hbm>>
          tpu.enqueue_dma source(%arg8 : memref<32x512xf32, #tpu.memory_space<vmem>>) target(%dma_start3A_284 : memref<32x512xf32, #tpu.memory_space<hbm>>) target_semaphore(%run_scoped3A : memref<!tpu.dma_semaphore, #tpu.memory_space<semaphore_mem>>)
          %dma_wait3A_285 = arith.constant 0 : i32
          %dma_wait3A_286 = arith.constant 0 : i32
          %dma_wait3A_287 = tpu.memref_slice %arg5[%select_n3A_113, %dma_wait3A_285, %dma_wait3A_286] : memref<77x1000x512xf32, #tpu.memory_space<hbm>> -> memref<1x1000x512xf32, #tpu.memory_space<hbm>>
          %dma_wait3A_288 = tpu.memref_squeeze %dma_wait3A_287 : memref<1x1000x512xf32, #tpu.memory_space<hbm>> -> memref<1000x512xf32, #tpu.memory_space<hbm>>
          %dma_wait3A_289 = arith.constant 0 : i32
          %dma_wait3A_290 = tpu.memref_slice %dma_wait3A_288[%mul3A_2, %dma_wait3A_289] : memref<1000x512xf32, #tpu.memory_space<hbm>> -> memref<32x512xf32, #tpu.memory_space<hbm>>
          %dma_wait3A_291 = arith.constant 0 : i32
          %dma_wait3A_292 = arith.constant 0 : i32
          %dma_wait3A_293 = tpu.memref_slice %arg5[%select_n3A_113, %dma_wait3A_291, %dma_wait3A_292] : memref<77x1000x512xf32, #tpu.memory_space<hbm>> -> memref<1x1000x512xf32, #tpu.memory_space<hbm>>
          %dma_wait3A_294 = tpu.memref_squeeze %dma_wait3A_293 : memref<1x1000x512xf32, #tpu.memory_space<hbm>> -> memref<1000x512xf32, #tpu.memory_space<hbm>>
          %dma_wait3A_295 = arith.constant 0 : i32
          %dma_wait3A_296 = tpu.memref_slice %dma_wait3A_294[%mul3A_2, %dma_wait3A_295] : memref<1000x512xf32, #tpu.memory_space<hbm>> -> memref<32x512xf32, #tpu.memory_space<hbm>>
          tpu.wait_dma2 semaphore(%run_scoped3A : memref<!tpu.dma_semaphore, #tpu.memory_space<semaphore_mem>>) src(%arg8 : memref<32x512xf32, #tpu.memory_space<vmem>>) dst(%dma_wait3A_296 : memref<32x512xf32, #tpu.memory_space<hbm>>)
          tpu.yield
        }) : () -> ()
      } else {
      }
      %add3A_121 = arith.constant 32 : i32
      %add3A_122 = arith.addi %mul3A_2, %add3A_121 : i32
      %gt3A_123 = arith.constant 1000 : i32
      %gt3A_124 = arith.cmpi sgt, %add3A_122, %gt3A_123 : i32
      %convert_element_type3A_125 = arith.extui %gt3A_124 : i1 to i32
      %cond3A_126 = arith.constant 0 : i32
      %cond3A_127 = arith.cmpi ne, %convert_element_type3A_125, %cond3A_126 : i32
      scf.if %cond3A_127 {
        "tpu.region"() ({
          %run_scoped3A = tpu.sem_alloc : memref<!tpu.dma_semaphore, #tpu.memory_space<semaphore_mem>>
          %dma_start3A_273 = arith.constant 0 : i32
          %dma_start3A_274 = arith.constant 0 : i32
          %dma_start3A_275 = tpu.memref_slice %arg8[%dma_start3A_273, %dma_start3A_274] : memref<32x512xf32, #tpu.memory_space<vmem>> -> memref<8x512xf32, #tpu.memory_space<vmem>>
          %dma_start3A_276 = arith.constant 0 : i32
          %dma_start3A_277 = arith.constant 0 : i32
          %dma_start3A_278 = tpu.memref_slice %arg5[%select_n3A_113, %dma_start3A_276, %dma_start3A_277] : memref<77x1000x512xf32, #tpu.memory_space<hbm>> -> memref<1x1000x512xf32, #tpu.memory_space<hbm>>
          %dma_start3A_279 = tpu.memref_squeeze %dma_start3A_278 : memref<1x1000x512xf32, #tpu.memory_space<hbm>> -> memref<1000x512xf32, #tpu.memory_space<hbm>>
          %dma_start3A_280 = arith.constant 0 : i32
          %dma_start3A_281 = tpu.memref_slice %dma_start3A_279[%mul3A_2, %dma_start3A_280] : memref<1000x512xf32, #tpu.memory_space<hbm>> -> memref<8x512xf32, #tpu.memory_space<hbm>>
          %dma_start3A_282 = arith.constant 0 : i32
          %dma_start3A_283 = arith.constant 0 : i32
          %dma_start3A_284 = tpu.memref_slice %arg5[%select_n3A_113, %dma_start3A_282, %dma_start3A_283] : memref<77x1000x512xf32, #tpu.memory_space<hbm>> -> memref<1x1000x512xf32, #tpu.memory_space<hbm>>
          %dma_start3A_285 = tpu.memref_squeeze %dma_start3A_284 : memref<1x1000x512xf32, #tpu.memory_space<hbm>> -> memref<1000x512xf32, #tpu.memory_space<hbm>>
          %dma_start3A_286 = arith.constant 0 : i32
          %dma_start3A_287 = tpu.memref_slice %dma_start3A_285[%mul3A_2, %dma_start3A_286] : memref<1000x512xf32, #tpu.memory_space<hbm>> -> memref<8x512xf32, #tpu.memory_space<hbm>>
          %dma_start3A_288 = arith.constant 0 : i32
          %dma_start3A_289 = arith.constant 0 : i32
          %dma_start3A_290 = tpu.memref_slice %arg8[%dma_start3A_288, %dma_start3A_289] : memref<32x512xf32, #tpu.memory_space<vmem>> -> memref<8x512xf32, #tpu.memory_space<vmem>>
          tpu.enqueue_dma source(%dma_start3A_290 : memref<8x512xf32, #tpu.memory_space<vmem>>) target(%dma_start3A_287 : memref<8x512xf32, #tpu.memory_space<hbm>>) target_semaphore(%run_scoped3A : memref<!tpu.dma_semaphore, #tpu.memory_space<semaphore_mem>>)
          %dma_wait3A_291 = arith.constant 0 : i32
          %dma_wait3A_292 = arith.constant 0 : i32
          %dma_wait3A_293 = tpu.memref_slice %arg8[%dma_wait3A_291, %dma_wait3A_292] : memref<32x512xf32, #tpu.memory_space<vmem>> -> memref<8x512xf32, #tpu.memory_space<vmem>>
          %dma_wait3A_294 = arith.constant 0 : i32
          %dma_wait3A_295 = arith.constant 0 : i32
          %dma_wait3A_296 = tpu.memref_slice %arg5[%select_n3A_113, %dma_wait3A_294, %dma_wait3A_295] : memref<77x1000x512xf32, #tpu.memory_space<hbm>> -> memref<1x1000x512xf32, #tpu.memory_space<hbm>>
          %dma_wait3A_297 = tpu.memref_squeeze %dma_wait3A_296 : memref<1x1000x512xf32, #tpu.memory_space<hbm>> -> memref<1000x512xf32, #tpu.memory_space<hbm>>
          %dma_wait3A_298 = arith.constant 0 : i32
          %dma_wait3A_299 = tpu.memref_slice %dma_wait3A_297[%mul3A_2, %dma_wait3A_298] : memref<1000x512xf32, #tpu.memory_space<hbm>> -> memref<8x512xf32, #tpu.memory_space<hbm>>
          %dma_wait3A_300 = arith.constant 0 : i32
          %dma_wait3A_301 = arith.constant 0 : i32
          %dma_wait3A_302 = tpu.memref_slice %arg5[%select_n3A_113, %dma_wait3A_300, %dma_wait3A_301] : memref<77x1000x512xf32, #tpu.memory_space<hbm>> -> memref<1x1000x512xf32, #tpu.memory_space<hbm>>
          %dma_wait3A_303 = tpu.memref_squeeze %dma_wait3A_302 : memref<1x1000x512xf32, #tpu.memory_space<hbm>> -> memref<1000x512xf32, #tpu.memory_space<hbm>>
          %dma_wait3A_304 = arith.constant 0 : i32
          %dma_wait3A_305 = tpu.memref_slice %dma_wait3A_303[%mul3A_2, %dma_wait3A_304] : memref<1000x512xf32, #tpu.memory_space<hbm>> -> memref<8x512xf32, #tpu.memory_space<hbm>>
          %dma_wait3A_306 = arith.constant 0 : i32
          %dma_wait3A_307 = arith.constant 0 : i32
          %dma_wait3A_308 = tpu.memref_slice %arg8[%dma_wait3A_306, %dma_wait3A_307] : memref<32x512xf32, #tpu.memory_space<vmem>> -> memref<8x512xf32, #tpu.memory_space<vmem>>
          tpu.wait_dma2 semaphore(%run_scoped3A : memref<!tpu.dma_semaphore, #tpu.memory_space<semaphore_mem>>) src(%dma_wait3A_308 : memref<8x512xf32, #tpu.memory_space<vmem>>) dst(%dma_wait3A_305 : memref<8x512xf32, #tpu.memory_space<hbm>>)
          tpu.yield
        }) : () -> ()
      } else {
      }
      %jit3A_128 = arith.constant 4 : i32
      %div3A = arith.divsi %add3A_80, %jit3A_128 : i32
      %sign3A = arith.constant 0 : i32
      %sign3A_129 = arith.cmpi sgt, %add3A_80, %sign3A : i32
      %sign3A_130 = arith.extui %sign3A_129 : i1 to i32
      %sign3A_131 = arith.constant 0 : i32
      %sign3A_132 = arith.cmpi slt, %add3A_80, %sign3A_131 : i32
      %sign3A_133 = arith.extui %sign3A_132 : i1 to i32
      %sign3A_134 = arith.subi %sign3A_130, %sign3A_133 : i32
      %sign3A_135 = arith.constant 0 : i32
      %sign3A_136 = arith.cmpi sgt, %jit3A_128, %sign3A_135 : i32
      %sign3A_137 = arith.extui %sign3A_136 : i1 to i32
      %sign3A_138 = arith.constant 0 : i32
      %sign3A_139 = arith.cmpi slt, %jit3A_128, %sign3A_138 : i32
      %sign3A_140 = arith.extui %sign3A_139 : i1 to i32
      %sign3A_141 = arith.subi %sign3A_137, %sign3A_140 : i32
      %ne3A = arith.cmpi ne, %sign3A_134, %sign3A_141 : i32
      %rem3A = arith.remsi %add3A_80, %jit3A_128 : i32
      %ne3A_142 = arith.constant 0 : i32
      %ne3A_143 = arith.cmpi ne, %rem3A, %ne3A_142 : i32
      %and3A = arith.andi %ne3A, %ne3A_143 : i1
      %sub3A = arith.constant 1 : i32
      %sub3A_144 = arith.subi %div3A, %sub3A : i32
      %select_n3A_145 = arith.select %and3A, %sub3A_144, %div3A : i32
      %jit3A_146 = arith.constant 4 : i32
      %eq3A_147 = arith.constant 0 : i32
      %eq3A_148 = arith.cmpi eq, %jit3A_146, %eq3A_147 : i32
      %jit3A_149 = arith.constant 1 : i32
      %select_n3A_150 = arith.select %eq3A_148, %jit3A_149, %jit3A_146 : i32
      %rem3A_151 = arith.remsi %add3A_80, %select_n3A_150 : i32
      %ne3A_152 = arith.constant 0 : i32
      %ne3A_153 = arith.cmpi ne, %rem3A_151, %ne3A_152 : i32
      %lt3A = arith.constant 0 : i32
      %lt3A_154 = arith.cmpi slt, %rem3A_151, %lt3A : i32
      %lt3A_155 = arith.constant 0 : i32
      %lt3A_156 = arith.cmpi slt, %select_n3A_150, %lt3A_155 : i32
      %ne3A_157 = arith.xori %lt3A_154, %lt3A_156 : i1
      %and3A_158 = arith.andi %ne3A_157, %ne3A_153 : i1
      %add3A_159 = arith.addi %rem3A_151, %select_n3A_150 : i32
      %select_n3A_160 = arith.select %and3A_158, %add3A_159, %rem3A_151 : i32
      %mul3A_161 = arith.constant 8 : i32
      %mul3A_162 = arith.muli %select_n3A_160, %mul3A_161 : i32
      %add3A_163 = arith.addi %mul3A_2, %mul3A_162 : i32
      %add3A_164 = arith.constant 8 : i32
      %add3A_165 = arith.addi %add3A_163, %add3A_164 : i32
      %le3A_166 = arith.constant 1000 : i32
      %le3A_167 = arith.cmpi sle, %add3A_165, %le3A_166 : i32
      %convert_element_type3A_168 = arith.extui %le3A_167 : i1 to i32
      %cond3A_169 = arith.constant 0 : i32
      %cond3A_170 = arith.cmpi ne, %convert_element_type3A_168, %cond3A_169 : i32
      scf.if %cond3A_170 {
        %mul3A_273 = arith.constant 8 : i32
        %mul3A_274 = arith.muli %select_n3A_145, %mul3A_273 : i32
        %add3A_275 = arith.constant 1 : i32
        %add3A_276 = arith.addi %add3A_275, %select_n3A_145 : i32
        %add3A_277 = arith.addi %mul3A_2, %mul3A_162 : i32
        "tpu.region"() ({
          %run_scoped3A = tpu.sem_alloc : memref<!tpu.dma_semaphore, #tpu.memory_space<semaphore_mem>>
          %dma_start3A_278 = arith.constant 0 : i32
          %dma_start3A_279 = tpu.memref_slice %arg7[%mul3A_274, %dma_start3A_278] : memref<128x512xf32, #tpu.memory_space<vmem>> -> memref<8x512xf32, #tpu.memory_space<vmem>>
          %dma_start3A_280 = arith.constant 0 : i32
          %dma_start3A_281 = arith.constant 0 : i32
          %dma_start3A_282 = tpu.memref_slice %arg5[%add3A_276, %dma_start3A_280, %dma_start3A_281] : memref<77x1000x512xf32, #tpu.memory_space<hbm>> -> memref<1x1000x512xf32, #tpu.memory_space<hbm>>
          %dma_start3A_283 = tpu.memref_squeeze %dma_start3A_282 : memref<1x1000x512xf32, #tpu.memory_space<hbm>> -> memref<1000x512xf32, #tpu.memory_space<hbm>>
          %dma_start3A_284 = arith.constant 0 : i32
          %dma_start3A_285 = tpu.memref_slice %dma_start3A_283[%add3A_277, %dma_start3A_284] : memref<1000x512xf32, #tpu.memory_space<hbm>> -> memref<8x512xf32, #tpu.memory_space<hbm>>
          %dma_start3A_286 = arith.constant 0 : i32
          %dma_start3A_287 = arith.constant 0 : i32
          %dma_start3A_288 = tpu.memref_slice %arg5[%add3A_276, %dma_start3A_286, %dma_start3A_287] : memref<77x1000x512xf32, #tpu.memory_space<hbm>> -> memref<1x1000x512xf32, #tpu.memory_space<hbm>>
          %dma_start3A_289 = tpu.memref_squeeze %dma_start3A_288 : memref<1x1000x512xf32, #tpu.memory_space<hbm>> -> memref<1000x512xf32, #tpu.memory_space<hbm>>
          %dma_start3A_290 = arith.constant 0 : i32
          %dma_start3A_291 = tpu.memref_slice %dma_start3A_289[%add3A_277, %dma_start3A_290] : memref<1000x512xf32, #tpu.memory_space<hbm>> -> memref<8x512xf32, #tpu.memory_space<hbm>>
          %dma_start3A_292 = arith.constant 0 : i32
          %dma_start3A_293 = tpu.memref_slice %arg7[%mul3A_274, %dma_start3A_292] : memref<128x512xf32, #tpu.memory_space<vmem>> -> memref<8x512xf32, #tpu.memory_space<vmem>>
          tpu.enqueue_dma source(%dma_start3A_293 : memref<8x512xf32, #tpu.memory_space<vmem>>) target(%dma_start3A_291 : memref<8x512xf32, #tpu.memory_space<hbm>>) target_semaphore(%run_scoped3A : memref<!tpu.dma_semaphore, #tpu.memory_space<semaphore_mem>>)
          %dma_wait3A_294 = arith.constant 0 : i32
          %dma_wait3A_295 = tpu.memref_slice %arg7[%mul3A_274, %dma_wait3A_294] : memref<128x512xf32, #tpu.memory_space<vmem>> -> memref<8x512xf32, #tpu.memory_space<vmem>>
          %dma_wait3A_296 = arith.constant 0 : i32
          %dma_wait3A_297 = arith.constant 0 : i32
          %dma_wait3A_298 = tpu.memref_slice %arg5[%add3A_276, %dma_wait3A_296, %dma_wait3A_297] : memref<77x1000x512xf32, #tpu.memory_space<hbm>> -> memref<1x1000x512xf32, #tpu.memory_space<hbm>>
          %dma_wait3A_299 = tpu.memref_squeeze %dma_wait3A_298 : memref<1x1000x512xf32, #tpu.memory_space<hbm>> -> memref<1000x512xf32, #tpu.memory_space<hbm>>
          %dma_wait3A_300 = arith.constant 0 : i32
          %dma_wait3A_301 = tpu.memref_slice %dma_wait3A_299[%add3A_277, %dma_wait3A_300] : memref<1000x512xf32, #tpu.memory_space<hbm>> -> memref<8x512xf32, #tpu.memory_space<hbm>>
          %dma_wait3A_302 = arith.constant 0 : i32
          %dma_wait3A_303 = arith.constant 0 : i32
          %dma_wait3A_304 = tpu.memref_slice %arg5[%add3A_276, %dma_wait3A_302, %dma_wait3A_303] : memref<77x1000x512xf32, #tpu.memory_space<hbm>> -> memref<1x1000x512xf32, #tpu.memory_space<hbm>>
          %dma_wait3A_305 = tpu.memref_squeeze %dma_wait3A_304 : memref<1x1000x512xf32, #tpu.memory_space<hbm>> -> memref<1000x512xf32, #tpu.memory_space<hbm>>
          %dma_wait3A_306 = arith.constant 0 : i32
          %dma_wait3A_307 = tpu.memref_slice %dma_wait3A_305[%add3A_277, %dma_wait3A_306] : memref<1000x512xf32, #tpu.memory_space<hbm>> -> memref<8x512xf32, #tpu.memory_space<hbm>>
          %dma_wait3A_308 = arith.constant 0 : i32
          %dma_wait3A_309 = tpu.memref_slice %arg7[%mul3A_274, %dma_wait3A_308] : memref<128x512xf32, #tpu.memory_space<vmem>> -> memref<8x512xf32, #tpu.memory_space<vmem>>
          tpu.wait_dma2 semaphore(%run_scoped3A : memref<!tpu.dma_semaphore, #tpu.memory_space<semaphore_mem>>) src(%dma_wait3A_309 : memref<8x512xf32, #tpu.memory_space<vmem>>) dst(%dma_wait3A_307 : memref<8x512xf32, #tpu.memory_space<hbm>>)
          tpu.yield
        }) : () -> ()
      } else {
      }
      %mul3A_171 = arith.constant 2 : i32
      %mul3A_172 = arith.muli %mul3A_171, %scan3A_76 : i32
      %add3A_173 = arith.constant 1 : i32
      %add3A_174 = arith.addi %mul3A_172, %add3A_173 : i32
      %add3A_175 = arith.constant 1 : i32
      %add3A_176 = arith.addi %add3A_174, %add3A_175 : i32
      %eq3A_177 = arith.constant 0 : i32
      %eq3A_178 = arith.cmpi eq, %add3A_176, %eq3A_177 : i32
      %add3A_179 = arith.constant 16 : i32
      %add3A_180 = arith.addi %add3A_179, %add3A_176 : i32
      %jit3A_181 = arith.constant 0 : i32
      %select_n3A_182 = arith.select %eq3A_178, %jit3A_181, %add3A_180 : i32
      %dma_start3A_183 = arith.constant 0 : i32
      %dma_start3A_184 = arith.constant 0 : i32
      %dma_start3A_185 = tpu.memref_slice %arg6[%select_n3A_182, %dma_start3A_183, %dma_start3A_184] : memref<77x1x32xi32, #tpu.memory_space<vmem>> -> memref<1x1x32xi32, #tpu.memory_space<vmem>>
      %dma_start3A_186 = tpu.memref_squeeze %dma_start3A_185 : memref<1x1x32xi32, #tpu.memory_space<vmem>> -> memref<32xi32, #tpu.memory_space<vmem>>
      %dma_start3A_187 = arith.constant 0 : i32
      %dma_start3A_188 = arith.constant 0 : i32
      %dma_start3A_189 = tpu.memref_slice %arg3[%dma_start3A_187, %dma_start3A_188] : memref<49408x512xf32, #tpu.memory_space<hbm>> -> memref<49408x512xf32, #tpu.memory_space<hbm>>
      tpu.enqueue_indirect_dma source(%dma_start3A_189 : memref<49408x512xf32, #tpu.memory_space<hbm>>) target(%arg8 : memref<32x512xf32, #tpu.memory_space<vmem>>) offsets(%dma_start3A_186 : memref<32xi32, #tpu.memory_space<vmem>>) semaphore(%arg10 : memref<!tpu.dma_semaphore, #tpu.memory_space<semaphore_mem>>)
      %eq3A_190 = arith.constant 0 : i32
      %eq3A_191 = arith.cmpi eq, %add3A_174, %eq3A_190 : i32
      %add3A_192 = arith.constant 16 : i32
      %add3A_193 = arith.addi %add3A_192, %add3A_174 : i32
      %jit3A_194 = arith.constant 0 : i32
      %select_n3A_195 = arith.select %eq3A_191, %jit3A_194, %add3A_193 : i32
      %dma_wait3A_196 = arith.constant 0 : i32
      %dma_wait3A_197 = arith.constant 0 : i32
      %dma_wait3A_198 = tpu.memref_slice %arg6[%select_n3A_195, %dma_wait3A_196, %dma_wait3A_197] : memref<77x1x32xi32, #tpu.memory_space<vmem>> -> memref<1x1x32xi32, #tpu.memory_space<vmem>>
      %dma_wait3A_199 = tpu.memref_squeeze %dma_wait3A_198 : memref<1x1x32xi32, #tpu.memory_space<vmem>> -> memref<32xi32, #tpu.memory_space<vmem>>
      %dma_wait3A_200 = arith.constant 0 : i32
      %dma_wait3A_201 = arith.constant 0 : i32
      %dma_wait3A_202 = tpu.memref_slice %arg3[%dma_wait3A_200, %dma_wait3A_201] : memref<49408x512xf32, #tpu.memory_space<hbm>> -> memref<49408x512xf32, #tpu.memory_space<hbm>>
      tpu.wait_indirect_dma semaphore(%arg11 : memref<!tpu.dma_semaphore, #tpu.memory_space<semaphore_mem>>) src(%dma_wait3A_202 : memref<49408x512xf32, #tpu.memory_space<hbm>>) dst(%arg9 : memref<32x512xf32, #tpu.memory_space<vmem>>)
      %eq3A_203 = arith.constant 0 : i32
      %eq3A_204 = arith.cmpi eq, %add3A_174, %eq3A_203 : i32
      %add3A_205 = arith.constant 16 : i32
      %add3A_206 = arith.addi %add3A_205, %add3A_174 : i32
      %jit3A_207 = arith.constant 0 : i32
      %select_n3A_208 = arith.select %eq3A_204, %jit3A_207, %add3A_206 : i32
      %add3A_209 = arith.constant 32 : i32
      %add3A_210 = arith.addi %mul3A_2, %add3A_209 : i32
      %le3A_211 = arith.constant 1000 : i32
      %le3A_212 = arith.cmpi sle, %add3A_210, %le3A_211 : i32
      %convert_element_type3A_213 = arith.extui %le3A_212 : i1 to i32
      %cond3A_214 = arith.constant 0 : i32
      %cond3A_215 = arith.cmpi ne, %convert_element_type3A_213, %cond3A_214 : i32
      scf.if %cond3A_215 {
        "tpu.region"() ({
          %run_scoped3A = tpu.sem_alloc : memref<!tpu.dma_semaphore, #tpu.memory_space<semaphore_mem>>
          %dma_start3A_273 = arith.constant 0 : i32
          %dma_start3A_274 = arith.constant 0 : i32
          %dma_start3A_275 = tpu.memref_slice %arg5[%select_n3A_208, %dma_start3A_273, %dma_start3A_274] : memref<77x1000x512xf32, #tpu.memory_space<hbm>> -> memref<1x1000x512xf32, #tpu.memory_space<hbm>>
          %dma_start3A_276 = tpu.memref_squeeze %dma_start3A_275 : memref<1x1000x512xf32, #tpu.memory_space<hbm>> -> memref<1000x512xf32, #tpu.memory_space<hbm>>
          %dma_start3A_277 = arith.constant 0 : i32
          %dma_start3A_278 = tpu.memref_slice %dma_start3A_276[%mul3A_2, %dma_start3A_277] : memref<1000x512xf32, #tpu.memory_space<hbm>> -> memref<32x512xf32, #tpu.memory_space<hbm>>
          %dma_start3A_279 = arith.constant 0 : i32
          %dma_start3A_280 = arith.constant 0 : i32
          %dma_start3A_281 = tpu.memref_slice %arg5[%select_n3A_208, %dma_start3A_279, %dma_start3A_280] : memref<77x1000x512xf32, #tpu.memory_space<hbm>> -> memref<1x1000x512xf32, #tpu.memory_space<hbm>>
          %dma_start3A_282 = tpu.memref_squeeze %dma_start3A_281 : memref<1x1000x512xf32, #tpu.memory_space<hbm>> -> memref<1000x512xf32, #tpu.memory_space<hbm>>
          %dma_start3A_283 = arith.constant 0 : i32
          %dma_start3A_284 = tpu.memref_slice %dma_start3A_282[%mul3A_2, %dma_start3A_283] : memref<1000x512xf32, #tpu.memory_space<hbm>> -> memref<32x512xf32, #tpu.memory_space<hbm>>
          tpu.enqueue_dma source(%arg9 : memref<32x512xf32, #tpu.memory_space<vmem>>) target(%dma_start3A_284 : memref<32x512xf32, #tpu.memory_space<hbm>>) target_semaphore(%run_scoped3A : memref<!tpu.dma_semaphore, #tpu.memory_space<semaphore_mem>>)
          %dma_wait3A_285 = arith.constant 0 : i32
          %dma_wait3A_286 = arith.constant 0 : i32
          %dma_wait3A_287 = tpu.memref_slice %arg5[%select_n3A_208, %dma_wait3A_285, %dma_wait3A_286] : memref<77x1000x512xf32, #tpu.memory_space<hbm>> -> memref<1x1000x512xf32, #tpu.memory_space<hbm>>
          %dma_wait3A_288 = tpu.memref_squeeze %dma_wait3A_287 : memref<1x1000x512xf32, #tpu.memory_space<hbm>> -> memref<1000x512xf32, #tpu.memory_space<hbm>>
          %dma_wait3A_289 = arith.constant 0 : i32
          %dma_wait3A_290 = tpu.memref_slice %dma_wait3A_288[%mul3A_2, %dma_wait3A_289] : memref<1000x512xf32, #tpu.memory_space<hbm>> -> memref<32x512xf32, #tpu.memory_space<hbm>>
          %dma_wait3A_291 = arith.constant 0 : i32
          %dma_wait3A_292 = arith.constant 0 : i32
          %dma_wait3A_293 = tpu.memref_slice %arg5[%select_n3A_208, %dma_wait3A_291, %dma_wait3A_292] : memref<77x1000x512xf32, #tpu.memory_space<hbm>> -> memref<1x1000x512xf32, #tpu.memory_space<hbm>>
          %dma_wait3A_294 = tpu.memref_squeeze %dma_wait3A_293 : memref<1x1000x512xf32, #tpu.memory_space<hbm>> -> memref<1000x512xf32, #tpu.memory_space<hbm>>
          %dma_wait3A_295 = arith.constant 0 : i32
          %dma_wait3A_296 = tpu.memref_slice %dma_wait3A_294[%mul3A_2, %dma_wait3A_295] : memref<1000x512xf32, #tpu.memory_space<hbm>> -> memref<32x512xf32, #tpu.memory_space<hbm>>
          tpu.wait_dma2 semaphore(%run_scoped3A : memref<!tpu.dma_semaphore, #tpu.memory_space<semaphore_mem>>) src(%arg9 : memref<32x512xf32, #tpu.memory_space<vmem>>) dst(%dma_wait3A_296 : memref<32x512xf32, #tpu.memory_space<hbm>>)
          tpu.yield
        }) : () -> ()
      } else {
      }
      %add3A_216 = arith.constant 32 : i32
      %add3A_217 = arith.addi %mul3A_2, %add3A_216 : i32
      %gt3A_218 = arith.constant 1000 : i32
      %gt3A_219 = arith.cmpi sgt, %add3A_217, %gt3A_218 : i32
      %convert_element_type3A_220 = arith.extui %gt3A_219 : i1 to i32
      %cond3A_221 = arith.constant 0 : i32
      %cond3A_222 = arith.cmpi ne, %convert_element_type3A_220, %cond3A_221 : i32
      scf.if %cond3A_222 {
        "tpu.region"() ({
          %run_scoped3A = tpu.sem_alloc : memref<!tpu.dma_semaphore, #tpu.memory_space<semaphore_mem>>
          %dma_start3A_273 = arith.constant 0 : i32
          %dma_start3A_274 = arith.constant 0 : i32
          %dma_start3A_275 = tpu.memref_slice %arg9[%dma_start3A_273, %dma_start3A_274] : memref<32x512xf32, #tpu.memory_space<vmem>> -> memref<8x512xf32, #tpu.memory_space<vmem>>
          %dma_start3A_276 = arith.constant 0 : i32
          %dma_start3A_277 = arith.constant 0 : i32
          %dma_start3A_278 = tpu.memref_slice %arg5[%select_n3A_208, %dma_start3A_276, %dma_start3A_277] : memref<77x1000x512xf32, #tpu.memory_space<hbm>> -> memref<1x1000x512xf32, #tpu.memory_space<hbm>>
          %dma_start3A_279 = tpu.memref_squeeze %dma_start3A_278 : memref<1x1000x512xf32, #tpu.memory_space<hbm>> -> memref<1000x512xf32, #tpu.memory_space<hbm>>
          %dma_start3A_280 = arith.constant 0 : i32
          %dma_start3A_281 = tpu.memref_slice %dma_start3A_279[%mul3A_2, %dma_start3A_280] : memref<1000x512xf32, #tpu.memory_space<hbm>> -> memref<8x512xf32, #tpu.memory_space<hbm>>
          %dma_start3A_282 = arith.constant 0 : i32
          %dma_start3A_283 = arith.constant 0 : i32
          %dma_start3A_284 = tpu.memref_slice %arg5[%select_n3A_208, %dma_start3A_282, %dma_start3A_283] : memref<77x1000x512xf32, #tpu.memory_space<hbm>> -> memref<1x1000x512xf32, #tpu.memory_space<hbm>>
          %dma_start3A_285 = tpu.memref_squeeze %dma_start3A_284 : memref<1x1000x512xf32, #tpu.memory_space<hbm>> -> memref<1000x512xf32, #tpu.memory_space<hbm>>
          %dma_start3A_286 = arith.constant 0 : i32
          %dma_start3A_287 = tpu.memref_slice %dma_start3A_285[%mul3A_2, %dma_start3A_286] : memref<1000x512xf32, #tpu.memory_space<hbm>> -> memref<8x512xf32, #tpu.memory_space<hbm>>
          %dma_start3A_288 = arith.constant 0 : i32
          %dma_start3A_289 = arith.constant 0 : i32
          %dma_start3A_290 = tpu.memref_slice %arg9[%dma_start3A_288, %dma_start3A_289] : memref<32x512xf32, #tpu.memory_space<vmem>> -> memref<8x512xf32, #tpu.memory_space<vmem>>
          tpu.enqueue_dma source(%dma_start3A_290 : memref<8x512xf32, #tpu.memory_space<vmem>>) target(%dma_start3A_287 : memref<8x512xf32, #tpu.memory_space<hbm>>) target_semaphore(%run_scoped3A : memref<!tpu.dma_semaphore, #tpu.memory_space<semaphore_mem>>)
          %dma_wait3A_291 = arith.constant 0 : i32
          %dma_wait3A_292 = arith.constant 0 : i32
          %dma_wait3A_293 = tpu.memref_slice %arg9[%dma_wait3A_291, %dma_wait3A_292] : memref<32x512xf32, #tpu.memory_space<vmem>> -> memref<8x512xf32, #tpu.memory_space<vmem>>
          %dma_wait3A_294 = arith.constant 0 : i32
          %dma_wait3A_295 = arith.constant 0 : i32
          %dma_wait3A_296 = tpu.memref_slice %arg5[%select_n3A_208, %dma_wait3A_294, %dma_wait3A_295] : memref<77x1000x512xf32, #tpu.memory_space<hbm>> -> memref<1x1000x512xf32, #tpu.memory_space<hbm>>
          %dma_wait3A_297 = tpu.memref_squeeze %dma_wait3A_296 : memref<1x1000x512xf32, #tpu.memory_space<hbm>> -> memref<1000x512xf32, #tpu.memory_space<hbm>>
          %dma_wait3A_298 = arith.constant 0 : i32
          %dma_wait3A_299 = tpu.memref_slice %dma_wait3A_297[%mul3A_2, %dma_wait3A_298] : memref<1000x512xf32, #tpu.memory_space<hbm>> -> memref<8x512xf32, #tpu.memory_space<hbm>>
          %dma_wait3A_300 = arith.constant 0 : i32
          %dma_wait3A_301 = arith.constant 0 : i32
          %dma_wait3A_302 = tpu.memref_slice %arg5[%select_n3A_208, %dma_wait3A_300, %dma_wait3A_301] : memref<77x1000x512xf32, #tpu.memory_space<hbm>> -> memref<1x1000x512xf32, #tpu.memory_space<hbm>>
          %dma_wait3A_303 = tpu.memref_squeeze %dma_wait3A_302 : memref<1x1000x512xf32, #tpu.memory_space<hbm>> -> memref<1000x512xf32, #tpu.memory_space<hbm>>
          %dma_wait3A_304 = arith.constant 0 : i32
          %dma_wait3A_305 = tpu.memref_slice %dma_wait3A_303[%mul3A_2, %dma_wait3A_304] : memref<1000x512xf32, #tpu.memory_space<hbm>> -> memref<8x512xf32, #tpu.memory_space<hbm>>
          %dma_wait3A_306 = arith.constant 0 : i32
          %dma_wait3A_307 = arith.constant 0 : i32
          %dma_wait3A_308 = tpu.memref_slice %arg9[%dma_wait3A_306, %dma_wait3A_307] : memref<32x512xf32, #tpu.memory_space<vmem>> -> memref<8x512xf32, #tpu.memory_space<vmem>>
          tpu.wait_dma2 semaphore(%run_scoped3A : memref<!tpu.dma_semaphore, #tpu.memory_space<semaphore_mem>>) src(%dma_wait3A_308 : memref<8x512xf32, #tpu.memory_space<vmem>>) dst(%dma_wait3A_305 : memref<8x512xf32, #tpu.memory_space<hbm>>)
          tpu.yield
        }) : () -> ()
      } else {
      }
      %jit3A_223 = arith.constant 4 : i32
      %div3A_224 = arith.divsi %add3A_174, %jit3A_223 : i32
      %sign3A_225 = arith.constant 0 : i32
      %sign3A_226 = arith.cmpi sgt, %add3A_174, %sign3A_225 : i32
      %sign3A_227 = arith.extui %sign3A_226 : i1 to i32
      %sign3A_228 = arith.constant 0 : i32
      %sign3A_229 = arith.cmpi slt, %add3A_174, %sign3A_228 : i32
      %sign3A_230 = arith.extui %sign3A_229 : i1 to i32
      %sign3A_231 = arith.subi %sign3A_227, %sign3A_230 : i32
      %sign3A_232 = arith.constant 0 : i32
      %sign3A_233 = arith.cmpi sgt, %jit3A_223, %sign3A_232 : i32
      %sign3A_234 = arith.extui %sign3A_233 : i1 to i32
      %sign3A_235 = arith.constant 0 : i32
      %sign3A_236 = arith.cmpi slt, %jit3A_223, %sign3A_235 : i32
      %sign3A_237 = arith.extui %sign3A_236 : i1 to i32
      %sign3A_238 = arith.subi %sign3A_234, %sign3A_237 : i32
      %ne3A_239 = arith.cmpi ne, %sign3A_231, %sign3A_238 : i32
      %rem3A_240 = arith.remsi %add3A_174, %jit3A_223 : i32
      %ne3A_241 = arith.constant 0 : i32
      %ne3A_242 = arith.cmpi ne, %rem3A_240, %ne3A_241 : i32
      %and3A_243 = arith.andi %ne3A_239, %ne3A_242 : i1
      %sub3A_244 = arith.constant 1 : i32
      %sub3A_245 = arith.subi %div3A_224, %sub3A_244 : i32
      %select_n3A_246 = arith.select %and3A_243, %sub3A_245, %div3A_224 : i32
      %jit3A_247 = arith.constant 4 : i32
      %eq3A_248 = arith.constant 0 : i32
      %eq3A_249 = arith.cmpi eq, %jit3A_247, %eq3A_248 : i32
      %jit3A_250 = arith.constant 1 : i32
      %select_n3A_251 = arith.select %eq3A_249, %jit3A_250, %jit3A_247 : i32
      %rem3A_252 = arith.remsi %add3A_174, %select_n3A_251 : i32
      %ne3A_253 = arith.constant 0 : i32
      %ne3A_254 = arith.cmpi ne, %rem3A_252, %ne3A_253 : i32
      %lt3A_255 = arith.constant 0 : i32
      %lt3A_256 = arith.cmpi slt, %rem3A_252, %lt3A_255 : i32
      %lt3A_257 = arith.constant 0 : i32
      %lt3A_258 = arith.cmpi slt, %select_n3A_251, %lt3A_257 : i32
      %ne3A_259 = arith.xori %lt3A_256, %lt3A_258 : i1
      %and3A_260 = arith.andi %ne3A_259, %ne3A_254 : i1
      %add3A_261 = arith.addi %rem3A_252, %select_n3A_251 : i32
      %select_n3A_262 = arith.select %and3A_260, %add3A_261, %rem3A_252 : i32
      %mul3A_263 = arith.constant 8 : i32
      %mul3A_264 = arith.muli %select_n3A_262, %mul3A_263 : i32
      %add3A_265 = arith.addi %mul3A_2, %mul3A_264 : i32
      %add3A_266 = arith.constant 8 : i32
      %add3A_267 = arith.addi %add3A_265, %add3A_266 : i32
      %le3A_268 = arith.constant 1000 : i32
      %le3A_269 = arith.cmpi sle, %add3A_267, %le3A_268 : i32
      %convert_element_type3A_270 = arith.extui %le3A_269 : i1 to i32
      %cond3A_271 = arith.constant 0 : i32
      %cond3A_272 = arith.cmpi ne, %convert_element_type3A_270, %cond3A_271 : i32
      scf.if %cond3A_272 {
        %mul3A_273 = arith.constant 8 : i32
        %mul3A_274 = arith.muli %select_n3A_246, %mul3A_273 : i32
        %add3A_275 = arith.constant 1 : i32
        %add3A_276 = arith.addi %add3A_275, %select_n3A_246 : i32
        %add3A_277 = arith.addi %mul3A_2, %mul3A_264 : i32
        "tpu.region"() ({
          %run_scoped3A = tpu.sem_alloc : memref<!tpu.dma_semaphore, #tpu.memory_space<semaphore_mem>>
          %dma_start3A_278 = arith.constant 0 : i32
          %dma_start3A_279 = tpu.memref_slice %arg7[%mul3A_274, %dma_start3A_278] : memref<128x512xf32, #tpu.memory_space<vmem>> -> memref<8x512xf32, #tpu.memory_space<vmem>>
          %dma_start3A_280 = arith.constant 0 : i32
          %dma_start3A_281 = arith.constant 0 : i32
          %dma_start3A_282 = tpu.memref_slice %arg5[%add3A_276, %dma_start3A_280, %dma_start3A_281] : memref<77x1000x512xf32, #tpu.memory_space<hbm>> -> memref<1x1000x512xf32, #tpu.memory_space<hbm>>
          %dma_start3A_283 = tpu.memref_squeeze %dma_start3A_282 : memref<1x1000x512xf32, #tpu.memory_space<hbm>> -> memref<1000x512xf32, #tpu.memory_space<hbm>>
          %dma_start3A_284 = arith.constant 0 : i32
          %dma_start3A_285 = tpu.memref_slice %dma_start3A_283[%add3A_277, %dma_start3A_284] : memref<1000x512xf32, #tpu.memory_space<hbm>> -> memref<8x512xf32, #tpu.memory_space<hbm>>
          %dma_start3A_286 = arith.constant 0 : i32
          %dma_start3A_287 = arith.constant 0 : i32
          %dma_start3A_288 = tpu.memref_slice %arg5[%add3A_276, %dma_start3A_286, %dma_start3A_287] : memref<77x1000x512xf32, #tpu.memory_space<hbm>> -> memref<1x1000x512xf32, #tpu.memory_space<hbm>>
          %dma_start3A_289 = tpu.memref_squeeze %dma_start3A_288 : memref<1x1000x512xf32, #tpu.memory_space<hbm>> -> memref<1000x512xf32, #tpu.memory_space<hbm>>
          %dma_start3A_290 = arith.constant 0 : i32
          %dma_start3A_291 = tpu.memref_slice %dma_start3A_289[%add3A_277, %dma_start3A_290] : memref<1000x512xf32, #tpu.memory_space<hbm>> -> memref<8x512xf32, #tpu.memory_space<hbm>>
          %dma_start3A_292 = arith.constant 0 : i32
          %dma_start3A_293 = tpu.memref_slice %arg7[%mul3A_274, %dma_start3A_292] : memref<128x512xf32, #tpu.memory_space<vmem>> -> memref<8x512xf32, #tpu.memory_space<vmem>>
          tpu.enqueue_dma source(%dma_start3A_293 : memref<8x512xf32, #tpu.memory_space<vmem>>) target(%dma_start3A_291 : memref<8x512xf32, #tpu.memory_space<hbm>>) target_semaphore(%run_scoped3A : memref<!tpu.dma_semaphore, #tpu.memory_space<semaphore_mem>>)
          %dma_wait3A_294 = arith.constant 0 : i32
          %dma_wait3A_295 = tpu.memref_slice %arg7[%mul3A_274, %dma_wait3A_294] : memref<128x512xf32, #tpu.memory_space<vmem>> -> memref<8x512xf32, #tpu.memory_space<vmem>>
          %dma_wait3A_296 = arith.constant 0 : i32
          %dma_wait3A_297 = arith.constant 0 : i32
          %dma_wait3A_298 = tpu.memref_slice %arg5[%add3A_276, %dma_wait3A_296, %dma_wait3A_297] : memref<77x1000x512xf32, #tpu.memory_space<hbm>> -> memref<1x1000x512xf32, #tpu.memory_space<hbm>>
          %dma_wait3A_299 = tpu.memref_squeeze %dma_wait3A_298 : memref<1x1000x512xf32, #tpu.memory_space<hbm>> -> memref<1000x512xf32, #tpu.memory_space<hbm>>
          %dma_wait3A_300 = arith.constant 0 : i32
          %dma_wait3A_301 = tpu.memref_slice %dma_wait3A_299[%add3A_277, %dma_wait3A_300] : memref<1000x512xf32, #tpu.memory_space<hbm>> -> memref<8x512xf32, #tpu.memory_space<hbm>>
          %dma_wait3A_302 = arith.constant 0 : i32
          %dma_wait3A_303 = arith.constant 0 : i32
          %dma_wait3A_304 = tpu.memref_slice %arg5[%add3A_276, %dma_wait3A_302, %dma_wait3A_303] : memref<77x1000x512xf32, #tpu.memory_space<hbm>> -> memref<1x1000x512xf32, #tpu.memory_space<hbm>>
          %dma_wait3A_305 = tpu.memref_squeeze %dma_wait3A_304 : memref<1x1000x512xf32, #tpu.memory_space<hbm>> -> memref<1000x512xf32, #tpu.memory_space<hbm>>
          %dma_wait3A_306 = arith.constant 0 : i32
          %dma_wait3A_307 = tpu.memref_slice %dma_wait3A_305[%add3A_277, %dma_wait3A_306] : memref<1000x512xf32, #tpu.memory_space<hbm>> -> memref<8x512xf32, #tpu.memory_space<hbm>>
          %dma_wait3A_308 = arith.constant 0 : i32
          %dma_wait3A_309 = tpu.memref_slice %arg7[%mul3A_274, %dma_wait3A_308] : memref<128x512xf32, #tpu.memory_space<vmem>> -> memref<8x512xf32, #tpu.memory_space<vmem>>
          tpu.wait_dma2 semaphore(%run_scoped3A : memref<!tpu.dma_semaphore, #tpu.memory_space<semaphore_mem>>) src(%dma_wait3A_309 : memref<8x512xf32, #tpu.memory_space<vmem>>) dst(%dma_wait3A_307 : memref<8x512xf32, #tpu.memory_space<hbm>>)
          tpu.yield
        }) : () -> ()
      } else {
      }
    }
    %scan3A_15 = arith.constant 30 : i32
    %jit3A_16 = arith.constant false
    %jit3A_17 = arith.constant 0 : i32
    %jit3A_18 = arith.constant 76 : i32
    %select_n3A_19 = arith.select %jit3A_16, %jit3A_17, %jit3A_18 : i32
    %dma_wait3A = arith.constant 0 : i32
    %dma_wait3A_20 = arith.constant 0 : i32
    %dma_wait3A_21 = tpu.memref_slice %arg6[%select_n3A_19, %dma_wait3A, %dma_wait3A_20] : memref<77x1x32xi32, #tpu.memory_space<vmem>> -> memref<1x1x32xi32, #tpu.memory_space<vmem>>
    %dma_wait3A_22 = tpu.memref_squeeze %dma_wait3A_21 : memref<1x1x32xi32, #tpu.memory_space<vmem>> -> memref<32xi32, #tpu.memory_space<vmem>>
    %dma_wait3A_23 = arith.constant 0 : i32
    %dma_wait3A_24 = arith.constant 0 : i32
    %dma_wait3A_25 = tpu.memref_slice %arg3[%dma_wait3A_23, %dma_wait3A_24] : memref<49408x512xf32, #tpu.memory_space<hbm>> -> memref<49408x512xf32, #tpu.memory_space<hbm>>
    tpu.wait_indirect_dma semaphore(%arg10 : memref<!tpu.dma_semaphore, #tpu.memory_space<semaphore_mem>>) src(%dma_wait3A_25 : memref<49408x512xf32, #tpu.memory_space<hbm>>) dst(%arg8 : memref<32x512xf32, #tpu.memory_space<vmem>>)
    %jit3A_26 = arith.constant false
    %jit3A_27 = arith.constant 0 : i32
    %jit3A_28 = arith.constant 76 : i32
    %select_n3A_29 = arith.select %jit3A_26, %jit3A_27, %jit3A_28 : i32
    %add3A_30 = arith.constant 32 : i32
    %add3A_31 = arith.addi %mul3A_2, %add3A_30 : i32
    %le3A = arith.constant 1000 : i32
    %le3A_32 = arith.cmpi sle, %add3A_31, %le3A : i32
    %convert_element_type3A = arith.extui %le3A_32 : i1 to i32
    %cond3A = arith.constant 0 : i32
    %cond3A_33 = arith.cmpi ne, %convert_element_type3A, %cond3A : i32
    scf.if %cond3A_33 {
      "tpu.region"() ({
        %run_scoped3A = tpu.sem_alloc : memref<!tpu.dma_semaphore, #tpu.memory_space<semaphore_mem>>
        %dma_start3A_76 = arith.constant 0 : i32
        %dma_start3A_77 = arith.constant 0 : i32
        %dma_start3A_78 = tpu.memref_slice %arg5[%select_n3A_29, %dma_start3A_76, %dma_start3A_77] : memref<77x1000x512xf32, #tpu.memory_space<hbm>> -> memref<1x1000x512xf32, #tpu.memory_space<hbm>>
        %dma_start3A_79 = tpu.memref_squeeze %dma_start3A_78 : memref<1x1000x512xf32, #tpu.memory_space<hbm>> -> memref<1000x512xf32, #tpu.memory_space<hbm>>
        %dma_start3A_80 = arith.constant 0 : i32
        %dma_start3A_81 = tpu.memref_slice %dma_start3A_79[%mul3A_2, %dma_start3A_80] : memref<1000x512xf32, #tpu.memory_space<hbm>> -> memref<32x512xf32, #tpu.memory_space<hbm>>
        %dma_start3A_82 = arith.constant 0 : i32
        %dma_start3A_83 = arith.constant 0 : i32
        %dma_start3A_84 = tpu.memref_slice %arg5[%select_n3A_29, %dma_start3A_82, %dma_start3A_83] : memref<77x1000x512xf32, #tpu.memory_space<hbm>> -> memref<1x1000x512xf32, #tpu.memory_space<hbm>>
        %dma_start3A_85 = tpu.memref_squeeze %dma_start3A_84 : memref<1x1000x512xf32, #tpu.memory_space<hbm>> -> memref<1000x512xf32, #tpu.memory_space<hbm>>
        %dma_start3A_86 = arith.constant 0 : i32
        %dma_start3A_87 = tpu.memref_slice %dma_start3A_85[%mul3A_2, %dma_start3A_86] : memref<1000x512xf32, #tpu.memory_space<hbm>> -> memref<32x512xf32, #tpu.memory_space<hbm>>
        tpu.enqueue_dma source(%arg8 : memref<32x512xf32, #tpu.memory_space<vmem>>) target(%dma_start3A_87 : memref<32x512xf32, #tpu.memory_space<hbm>>) target_semaphore(%run_scoped3A : memref<!tpu.dma_semaphore, #tpu.memory_space<semaphore_mem>>)
        %dma_wait3A_88 = arith.constant 0 : i32
        %dma_wait3A_89 = arith.constant 0 : i32
        %dma_wait3A_90 = tpu.memref_slice %arg5[%select_n3A_29, %dma_wait3A_88, %dma_wait3A_89] : memref<77x1000x512xf32, #tpu.memory_space<hbm>> -> memref<1x1000x512xf32, #tpu.memory_space<hbm>>
        %dma_wait3A_91 = tpu.memref_squeeze %dma_wait3A_90 : memref<1x1000x512xf32, #tpu.memory_space<hbm>> -> memref<1000x512xf32, #tpu.memory_space<hbm>>
        %dma_wait3A_92 = arith.constant 0 : i32
        %dma_wait3A_93 = tpu.memref_slice %dma_wait3A_91[%mul3A_2, %dma_wait3A_92] : memref<1000x512xf32, #tpu.memory_space<hbm>> -> memref<32x512xf32, #tpu.memory_space<hbm>>
        %dma_wait3A_94 = arith.constant 0 : i32
        %dma_wait3A_95 = arith.constant 0 : i32
        %dma_wait3A_96 = tpu.memref_slice %arg5[%select_n3A_29, %dma_wait3A_94, %dma_wait3A_95] : memref<77x1000x512xf32, #tpu.memory_space<hbm>> -> memref<1x1000x512xf32, #tpu.memory_space<hbm>>
        %dma_wait3A_97 = tpu.memref_squeeze %dma_wait3A_96 : memref<1x1000x512xf32, #tpu.memory_space<hbm>> -> memref<1000x512xf32, #tpu.memory_space<hbm>>
        %dma_wait3A_98 = arith.constant 0 : i32
        %dma_wait3A_99 = tpu.memref_slice %dma_wait3A_97[%mul3A_2, %dma_wait3A_98] : memref<1000x512xf32, #tpu.memory_space<hbm>> -> memref<32x512xf32, #tpu.memory_space<hbm>>
        tpu.wait_dma2 semaphore(%run_scoped3A : memref<!tpu.dma_semaphore, #tpu.memory_space<semaphore_mem>>) src(%arg8 : memref<32x512xf32, #tpu.memory_space<vmem>>) dst(%dma_wait3A_99 : memref<32x512xf32, #tpu.memory_space<hbm>>)
        tpu.yield
      }) : () -> ()
    } else {
    }
    %add3A_34 = arith.constant 32 : i32
    %add3A_35 = arith.addi %mul3A_2, %add3A_34 : i32
    %gt3A = arith.constant 1000 : i32
    %gt3A_36 = arith.cmpi sgt, %add3A_35, %gt3A : i32
    %convert_element_type3A_37 = arith.extui %gt3A_36 : i1 to i32
    %cond3A_38 = arith.constant 0 : i32
    %cond3A_39 = arith.cmpi ne, %convert_element_type3A_37, %cond3A_38 : i32
    scf.if %cond3A_39 {
      "tpu.region"() ({
        %run_scoped3A = tpu.sem_alloc : memref<!tpu.dma_semaphore, #tpu.memory_space<semaphore_mem>>
        %dma_start3A_76 = arith.constant 0 : i32
        %dma_start3A_77 = arith.constant 0 : i32
        %dma_start3A_78 = tpu.memref_slice %arg8[%dma_start3A_76, %dma_start3A_77] : memref<32x512xf32, #tpu.memory_space<vmem>> -> memref<8x512xf32, #tpu.memory_space<vmem>>
        %dma_start3A_79 = arith.constant 0 : i32
        %dma_start3A_80 = arith.constant 0 : i32
        %dma_start3A_81 = tpu.memref_slice %arg5[%select_n3A_29, %dma_start3A_79, %dma_start3A_80] : memref<77x1000x512xf32, #tpu.memory_space<hbm>> -> memref<1x1000x512xf32, #tpu.memory_space<hbm>>
        %dma_start3A_82 = tpu.memref_squeeze %dma_start3A_81 : memref<1x1000x512xf32, #tpu.memory_space<hbm>> -> memref<1000x512xf32, #tpu.memory_space<hbm>>
        %dma_start3A_83 = arith.constant 0 : i32
        %dma_start3A_84 = tpu.memref_slice %dma_start3A_82[%mul3A_2, %dma_start3A_83] : memref<1000x512xf32, #tpu.memory_space<hbm>> -> memref<8x512xf32, #tpu.memory_space<hbm>>
        %dma_start3A_85 = arith.constant 0 : i32
        %dma_start3A_86 = arith.constant 0 : i32
        %dma_start3A_87 = tpu.memref_slice %arg5[%select_n3A_29, %dma_start3A_85, %dma_start3A_86] : memref<77x1000x512xf32, #tpu.memory_space<hbm>> -> memref<1x1000x512xf32, #tpu.memory_space<hbm>>
        %dma_start3A_88 = tpu.memref_squeeze %dma_start3A_87 : memref<1x1000x512xf32, #tpu.memory_space<hbm>> -> memref<1000x512xf32, #tpu.memory_space<hbm>>
        %dma_start3A_89 = arith.constant 0 : i32
        %dma_start3A_90 = tpu.memref_slice %dma_start3A_88[%mul3A_2, %dma_start3A_89] : memref<1000x512xf32, #tpu.memory_space<hbm>> -> memref<8x512xf32, #tpu.memory_space<hbm>>
        %dma_start3A_91 = arith.constant 0 : i32
        %dma_start3A_92 = arith.constant 0 : i32
        %dma_start3A_93 = tpu.memref_slice %arg8[%dma_start3A_91, %dma_start3A_92] : memref<32x512xf32, #tpu.memory_space<vmem>> -> memref<8x512xf32, #tpu.memory_space<vmem>>
        tpu.enqueue_dma source(%dma_start3A_93 : memref<8x512xf32, #tpu.memory_space<vmem>>) target(%dma_start3A_90 : memref<8x512xf32, #tpu.memory_space<hbm>>) target_semaphore(%run_scoped3A : memref<!tpu.dma_semaphore, #tpu.memory_space<semaphore_mem>>)
        %dma_wait3A_94 = arith.constant 0 : i32
        %dma_wait3A_95 = arith.constant 0 : i32
        %dma_wait3A_96 = tpu.memref_slice %arg8[%dma_wait3A_94, %dma_wait3A_95] : memref<32x512xf32, #tpu.memory_space<vmem>> -> memref<8x512xf32, #tpu.memory_space<vmem>>
        %dma_wait3A_97 = arith.constant 0 : i32
        %dma_wait3A_98 = arith.constant 0 : i32
        %dma_wait3A_99 = tpu.memref_slice %arg5[%select_n3A_29, %dma_wait3A_97, %dma_wait3A_98] : memref<77x1000x512xf32, #tpu.memory_space<hbm>> -> memref<1x1000x512xf32, #tpu.memory_space<hbm>>
        %dma_wait3A_100 = tpu.memref_squeeze %dma_wait3A_99 : memref<1x1000x512xf32, #tpu.memory_space<hbm>> -> memref<1000x512xf32, #tpu.memory_space<hbm>>
        %dma_wait3A_101 = arith.constant 0 : i32
        %dma_wait3A_102 = tpu.memref_slice %dma_wait3A_100[%mul3A_2, %dma_wait3A_101] : memref<1000x512xf32, #tpu.memory_space<hbm>> -> memref<8x512xf32, #tpu.memory_space<hbm>>
        %dma_wait3A_103 = arith.constant 0 : i32
        %dma_wait3A_104 = arith.constant 0 : i32
        %dma_wait3A_105 = tpu.memref_slice %arg5[%select_n3A_29, %dma_wait3A_103, %dma_wait3A_104] : memref<77x1000x512xf32, #tpu.memory_space<hbm>> -> memref<1x1000x512xf32, #tpu.memory_space<hbm>>
        %dma_wait3A_106 = tpu.memref_squeeze %dma_wait3A_105 : memref<1x1000x512xf32, #tpu.memory_space<hbm>> -> memref<1000x512xf32, #tpu.memory_space<hbm>>
        %dma_wait3A_107 = arith.constant 0 : i32
        %dma_wait3A_108 = tpu.memref_slice %dma_wait3A_106[%mul3A_2, %dma_wait3A_107] : memref<1000x512xf32, #tpu.memory_space<hbm>> -> memref<8x512xf32, #tpu.memory_space<hbm>>
        %dma_wait3A_109 = arith.constant 0 : i32
        %dma_wait3A_110 = arith.constant 0 : i32
        %dma_wait3A_111 = tpu.memref_slice %arg8[%dma_wait3A_109, %dma_wait3A_110] : memref<32x512xf32, #tpu.memory_space<vmem>> -> memref<8x512xf32, #tpu.memory_space<vmem>>
        tpu.wait_dma2 semaphore(%run_scoped3A : memref<!tpu.dma_semaphore, #tpu.memory_space<semaphore_mem>>) src(%dma_wait3A_111 : memref<8x512xf32, #tpu.memory_space<vmem>>) dst(%dma_wait3A_108 : memref<8x512xf32, #tpu.memory_space<hbm>>)
        tpu.yield
      }) : () -> ()
    } else {
    }
    %add3A_40 = arith.constant 0 : i32
    %add3A_41 = arith.addi %mul3A_2, %add3A_40 : i32
    %add3A_42 = arith.constant 8 : i32
    %add3A_43 = arith.addi %add3A_41, %add3A_42 : i32
    %le3A_44 = arith.constant 1000 : i32
    %le3A_45 = arith.cmpi sle, %add3A_43, %le3A_44 : i32
    %convert_element_type3A_46 = arith.extui %le3A_45 : i1 to i32
    %cond3A_47 = arith.constant 0 : i32
    %cond3A_48 = arith.cmpi ne, %convert_element_type3A_46, %cond3A_47 : i32
    scf.if %cond3A_48 {
      %add3A_76 = arith.constant 0 : i32
      %add3A_77 = arith.addi %mul3A_2, %add3A_76 : i32
      %run_scoped3A = arith.constant 16 : i32
      "tpu.region"() ({
        %run_scoped3A_78 = tpu.sem_alloc : memref<!tpu.dma_semaphore, #tpu.memory_space<semaphore_mem>>
        %dma_start3A_79 = arith.constant 120 : i32
        %dma_start3A_80 = arith.constant 0 : i32
        %dma_start3A_81 = tpu.memref_slice %arg7[%dma_start3A_79, %dma_start3A_80] : memref<128x512xf32, #tpu.memory_space<vmem>> -> memref<8x512xf32, #tpu.memory_space<vmem>>
        %dma_start3A_82 = arith.constant 0 : i32
        %dma_start3A_83 = arith.constant 0 : i32
        %dma_start3A_84 = tpu.memref_slice %arg5[%run_scoped3A, %dma_start3A_82, %dma_start3A_83] : memref<77x1000x512xf32, #tpu.memory_space<hbm>> -> memref<1x1000x512xf32, #tpu.memory_space<hbm>>
        %dma_start3A_85 = tpu.memref_squeeze %dma_start3A_84 : memref<1x1000x512xf32, #tpu.memory_space<hbm>> -> memref<1000x512xf32, #tpu.memory_space<hbm>>
        %dma_start3A_86 = arith.constant 0 : i32
        %dma_start3A_87 = tpu.memref_slice %dma_start3A_85[%add3A_77, %dma_start3A_86] : memref<1000x512xf32, #tpu.memory_space<hbm>> -> memref<8x512xf32, #tpu.memory_space<hbm>>
        %dma_start3A_88 = arith.constant 0 : i32
        %dma_start3A_89 = arith.constant 0 : i32
        %dma_start3A_90 = tpu.memref_slice %arg5[%run_scoped3A, %dma_start3A_88, %dma_start3A_89] : memref<77x1000x512xf32, #tpu.memory_space<hbm>> -> memref<1x1000x512xf32, #tpu.memory_space<hbm>>
        %dma_start3A_91 = tpu.memref_squeeze %dma_start3A_90 : memref<1x1000x512xf32, #tpu.memory_space<hbm>> -> memref<1000x512xf32, #tpu.memory_space<hbm>>
        %dma_start3A_92 = arith.constant 0 : i32
        %dma_start3A_93 = tpu.memref_slice %dma_start3A_91[%add3A_77, %dma_start3A_92] : memref<1000x512xf32, #tpu.memory_space<hbm>> -> memref<8x512xf32, #tpu.memory_space<hbm>>
        %dma_start3A_94 = arith.constant 120 : i32
        %dma_start3A_95 = arith.constant 0 : i32
        %dma_start3A_96 = tpu.memref_slice %arg7[%dma_start3A_94, %dma_start3A_95] : memref<128x512xf32, #tpu.memory_space<vmem>> -> memref<8x512xf32, #tpu.memory_space<vmem>>
        tpu.enqueue_dma source(%dma_start3A_96 : memref<8x512xf32, #tpu.memory_space<vmem>>) target(%dma_start3A_93 : memref<8x512xf32, #tpu.memory_space<hbm>>) target_semaphore(%run_scoped3A_78 : memref<!tpu.dma_semaphore, #tpu.memory_space<semaphore_mem>>)
        %dma_wait3A_97 = arith.constant 120 : i32
        %dma_wait3A_98 = arith.constant 0 : i32
        %dma_wait3A_99 = tpu.memref_slice %arg7[%dma_wait3A_97, %dma_wait3A_98] : memref<128x512xf32, #tpu.memory_space<vmem>> -> memref<8x512xf32, #tpu.memory_space<vmem>>
        %dma_wait3A_100 = arith.constant 0 : i32
        %dma_wait3A_101 = arith.constant 0 : i32
        %dma_wait3A_102 = tpu.memref_slice %arg5[%run_scoped3A, %dma_wait3A_100, %dma_wait3A_101] : memref<77x1000x512xf32, #tpu.memory_space<hbm>> -> memref<1x1000x512xf32, #tpu.memory_space<hbm>>
        %dma_wait3A_103 = tpu.memref_squeeze %dma_wait3A_102 : memref<1x1000x512xf32, #tpu.memory_space<hbm>> -> memref<1000x512xf32, #tpu.memory_space<hbm>>
        %dma_wait3A_104 = arith.constant 0 : i32
        %dma_wait3A_105 = tpu.memref_slice %dma_wait3A_103[%add3A_77, %dma_wait3A_104] : memref<1000x512xf32, #tpu.memory_space<hbm>> -> memref<8x512xf32, #tpu.memory_space<hbm>>
        %dma_wait3A_106 = arith.constant 0 : i32
        %dma_wait3A_107 = arith.constant 0 : i32
        %dma_wait3A_108 = tpu.memref_slice %arg5[%run_scoped3A, %dma_wait3A_106, %dma_wait3A_107] : memref<77x1000x512xf32, #tpu.memory_space<hbm>> -> memref<1x1000x512xf32, #tpu.memory_space<hbm>>
        %dma_wait3A_109 = tpu.memref_squeeze %dma_wait3A_108 : memref<1x1000x512xf32, #tpu.memory_space<hbm>> -> memref<1000x512xf32, #tpu.memory_space<hbm>>
        %dma_wait3A_110 = arith.constant 0 : i32
        %dma_wait3A_111 = tpu.memref_slice %dma_wait3A_109[%add3A_77, %dma_wait3A_110] : memref<1000x512xf32, #tpu.memory_space<hbm>> -> memref<8x512xf32, #tpu.memory_space<hbm>>
        %dma_wait3A_112 = arith.constant 120 : i32
        %dma_wait3A_113 = arith.constant 0 : i32
        %dma_wait3A_114 = tpu.memref_slice %arg7[%dma_wait3A_112, %dma_wait3A_113] : memref<128x512xf32, #tpu.memory_space<vmem>> -> memref<8x512xf32, #tpu.memory_space<vmem>>
        tpu.wait_dma2 semaphore(%run_scoped3A_78 : memref<!tpu.dma_semaphore, #tpu.memory_space<semaphore_mem>>) src(%dma_wait3A_114 : memref<8x512xf32, #tpu.memory_space<vmem>>) dst(%dma_wait3A_111 : memref<8x512xf32, #tpu.memory_space<hbm>>)
        tpu.yield
      }) : () -> ()
    } else {
    }
    %add3A_49 = arith.constant 8 : i32
    %add3A_50 = arith.addi %mul3A_2, %add3A_49 : i32
    %add3A_51 = arith.constant 8 : i32
    %add3A_52 = arith.addi %add3A_50, %add3A_51 : i32
    %le3A_53 = arith.constant 1000 : i32
    %le3A_54 = arith.cmpi sle, %add3A_52, %le3A_53 : i32
    %convert_element_type3A_55 = arith.extui %le3A_54 : i1 to i32
    %cond3A_56 = arith.constant 0 : i32
    %cond3A_57 = arith.cmpi ne, %convert_element_type3A_55, %cond3A_56 : i32
    scf.if %cond3A_57 {
      %add3A_76 = arith.constant 8 : i32
      %add3A_77 = arith.addi %mul3A_2, %add3A_76 : i32
      %run_scoped3A = arith.constant 16 : i32
      "tpu.region"() ({
        %run_scoped3A_78 = tpu.sem_alloc : memref<!tpu.dma_semaphore, #tpu.memory_space<semaphore_mem>>
        %dma_start3A_79 = arith.constant 120 : i32
        %dma_start3A_80 = arith.constant 0 : i32
        %dma_start3A_81 = tpu.memref_slice %arg7[%dma_start3A_79, %dma_start3A_80] : memref<128x512xf32, #tpu.memory_space<vmem>> -> memref<8x512xf32, #tpu.memory_space<vmem>>
        %dma_start3A_82 = arith.constant 0 : i32
        %dma_start3A_83 = arith.constant 0 : i32
        %dma_start3A_84 = tpu.memref_slice %arg5[%run_scoped3A, %dma_start3A_82, %dma_start3A_83] : memref<77x1000x512xf32, #tpu.memory_space<hbm>> -> memref<1x1000x512xf32, #tpu.memory_space<hbm>>
        %dma_start3A_85 = tpu.memref_squeeze %dma_start3A_84 : memref<1x1000x512xf32, #tpu.memory_space<hbm>> -> memref<1000x512xf32, #tpu.memory_space<hbm>>
        %dma_start3A_86 = arith.constant 0 : i32
        %dma_start3A_87 = tpu.memref_slice %dma_start3A_85[%add3A_77, %dma_start3A_86] : memref<1000x512xf32, #tpu.memory_space<hbm>> -> memref<8x512xf32, #tpu.memory_space<hbm>>
        %dma_start3A_88 = arith.constant 0 : i32
        %dma_start3A_89 = arith.constant 0 : i32
        %dma_start3A_90 = tpu.memref_slice %arg5[%run_scoped3A, %dma_start3A_88, %dma_start3A_89] : memref<77x1000x512xf32, #tpu.memory_space<hbm>> -> memref<1x1000x512xf32, #tpu.memory_space<hbm>>
        %dma_start3A_91 = tpu.memref_squeeze %dma_start3A_90 : memref<1x1000x512xf32, #tpu.memory_space<hbm>> -> memref<1000x512xf32, #tpu.memory_space<hbm>>
        %dma_start3A_92 = arith.constant 0 : i32
        %dma_start3A_93 = tpu.memref_slice %dma_start3A_91[%add3A_77, %dma_start3A_92] : memref<1000x512xf32, #tpu.memory_space<hbm>> -> memref<8x512xf32, #tpu.memory_space<hbm>>
        %dma_start3A_94 = arith.constant 120 : i32
        %dma_start3A_95 = arith.constant 0 : i32
        %dma_start3A_96 = tpu.memref_slice %arg7[%dma_start3A_94, %dma_start3A_95] : memref<128x512xf32, #tpu.memory_space<vmem>> -> memref<8x512xf32, #tpu.memory_space<vmem>>
        tpu.enqueue_dma source(%dma_start3A_96 : memref<8x512xf32, #tpu.memory_space<vmem>>) target(%dma_start3A_93 : memref<8x512xf32, #tpu.memory_space<hbm>>) target_semaphore(%run_scoped3A_78 : memref<!tpu.dma_semaphore, #tpu.memory_space<semaphore_mem>>)
        %dma_wait3A_97 = arith.constant 120 : i32
        %dma_wait3A_98 = arith.constant 0 : i32
        %dma_wait3A_99 = tpu.memref_slice %arg7[%dma_wait3A_97, %dma_wait3A_98] : memref<128x512xf32, #tpu.memory_space<vmem>> -> memref<8x512xf32, #tpu.memory_space<vmem>>
        %dma_wait3A_100 = arith.constant 0 : i32
        %dma_wait3A_101 = arith.constant 0 : i32
        %dma_wait3A_102 = tpu.memref_slice %arg5[%run_scoped3A, %dma_wait3A_100, %dma_wait3A_101] : memref<77x1000x512xf32, #tpu.memory_space<hbm>> -> memref<1x1000x512xf32, #tpu.memory_space<hbm>>
        %dma_wait3A_103 = tpu.memref_squeeze %dma_wait3A_102 : memref<1x1000x512xf32, #tpu.memory_space<hbm>> -> memref<1000x512xf32, #tpu.memory_space<hbm>>
        %dma_wait3A_104 = arith.constant 0 : i32
        %dma_wait3A_105 = tpu.memref_slice %dma_wait3A_103[%add3A_77, %dma_wait3A_104] : memref<1000x512xf32, #tpu.memory_space<hbm>> -> memref<8x512xf32, #tpu.memory_space<hbm>>
        %dma_wait3A_106 = arith.constant 0 : i32
        %dma_wait3A_107 = arith.constant 0 : i32
        %dma_wait3A_108 = tpu.memref_slice %arg5[%run_scoped3A, %dma_wait3A_106, %dma_wait3A_107] : memref<77x1000x512xf32, #tpu.memory_space<hbm>> -> memref<1x1000x512xf32, #tpu.memory_space<hbm>>
        %dma_wait3A_109 = tpu.memref_squeeze %dma_wait3A_108 : memref<1x1000x512xf32, #tpu.memory_space<hbm>> -> memref<1000x512xf32, #tpu.memory_space<hbm>>
        %dma_wait3A_110 = arith.constant 0 : i32
        %dma_wait3A_111 = tpu.memref_slice %dma_wait3A_109[%add3A_77, %dma_wait3A_110] : memref<1000x512xf32, #tpu.memory_space<hbm>> -> memref<8x512xf32, #tpu.memory_space<hbm>>
        %dma_wait3A_112 = arith.constant 120 : i32
        %dma_wait3A_113 = arith.constant 0 : i32
        %dma_wait3A_114 = tpu.memref_slice %arg7[%dma_wait3A_112, %dma_wait3A_113] : memref<128x512xf32, #tpu.memory_space<vmem>> -> memref<8x512xf32, #tpu.memory_space<vmem>>
        tpu.wait_dma2 semaphore(%run_scoped3A_78 : memref<!tpu.dma_semaphore, #tpu.memory_space<semaphore_mem>>) src(%dma_wait3A_114 : memref<8x512xf32, #tpu.memory_space<vmem>>) dst(%dma_wait3A_111 : memref<8x512xf32, #tpu.memory_space<hbm>>)
        tpu.yield
      }) : () -> ()
    } else {
    }
    %add3A_58 = arith.constant 16 : i32
    %add3A_59 = arith.addi %mul3A_2, %add3A_58 : i32
    %add3A_60 = arith.constant 8 : i32
    %add3A_61 = arith.addi %add3A_59, %add3A_60 : i32
    %le3A_62 = arith.constant 1000 : i32
    %le3A_63 = arith.cmpi sle, %add3A_61, %le3A_62 : i32
    %convert_element_type3A_64 = arith.extui %le3A_63 : i1 to i32
    %cond3A_65 = arith.constant 0 : i32
    %cond3A_66 = arith.cmpi ne, %convert_element_type3A_64, %cond3A_65 : i32
    scf.if %cond3A_66 {
      %add3A_76 = arith.constant 16 : i32
      %add3A_77 = arith.addi %mul3A_2, %add3A_76 : i32
      %run_scoped3A = arith.constant 16 : i32
      "tpu.region"() ({
        %run_scoped3A_78 = tpu.sem_alloc : memref<!tpu.dma_semaphore, #tpu.memory_space<semaphore_mem>>
        %dma_start3A_79 = arith.constant 120 : i32
        %dma_start3A_80 = arith.constant 0 : i32
        %dma_start3A_81 = tpu.memref_slice %arg7[%dma_start3A_79, %dma_start3A_80] : memref<128x512xf32, #tpu.memory_space<vmem>> -> memref<8x512xf32, #tpu.memory_space<vmem>>
        %dma_start3A_82 = arith.constant 0 : i32
        %dma_start3A_83 = arith.constant 0 : i32
        %dma_start3A_84 = tpu.memref_slice %arg5[%run_scoped3A, %dma_start3A_82, %dma_start3A_83] : memref<77x1000x512xf32, #tpu.memory_space<hbm>> -> memref<1x1000x512xf32, #tpu.memory_space<hbm>>
        %dma_start3A_85 = tpu.memref_squeeze %dma_start3A_84 : memref<1x1000x512xf32, #tpu.memory_space<hbm>> -> memref<1000x512xf32, #tpu.memory_space<hbm>>
        %dma_start3A_86 = arith.constant 0 : i32
        %dma_start3A_87 = tpu.memref_slice %dma_start3A_85[%add3A_77, %dma_start3A_86] : memref<1000x512xf32, #tpu.memory_space<hbm>> -> memref<8x512xf32, #tpu.memory_space<hbm>>
        %dma_start3A_88 = arith.constant 0 : i32
        %dma_start3A_89 = arith.constant 0 : i32
        %dma_start3A_90 = tpu.memref_slice %arg5[%run_scoped3A, %dma_start3A_88, %dma_start3A_89] : memref<77x1000x512xf32, #tpu.memory_space<hbm>> -> memref<1x1000x512xf32, #tpu.memory_space<hbm>>
        %dma_start3A_91 = tpu.memref_squeeze %dma_start3A_90 : memref<1x1000x512xf32, #tpu.memory_space<hbm>> -> memref<1000x512xf32, #tpu.memory_space<hbm>>
        %dma_start3A_92 = arith.constant 0 : i32
        %dma_start3A_93 = tpu.memref_slice %dma_start3A_91[%add3A_77, %dma_start3A_92] : memref<1000x512xf32, #tpu.memory_space<hbm>> -> memref<8x512xf32, #tpu.memory_space<hbm>>
        %dma_start3A_94 = arith.constant 120 : i32
        %dma_start3A_95 = arith.constant 0 : i32
        %dma_start3A_96 = tpu.memref_slice %arg7[%dma_start3A_94, %dma_start3A_95] : memref<128x512xf32, #tpu.memory_space<vmem>> -> memref<8x512xf32, #tpu.memory_space<vmem>>
        tpu.enqueue_dma source(%dma_start3A_96 : memref<8x512xf32, #tpu.memory_space<vmem>>) target(%dma_start3A_93 : memref<8x512xf32, #tpu.memory_space<hbm>>) target_semaphore(%run_scoped3A_78 : memref<!tpu.dma_semaphore, #tpu.memory_space<semaphore_mem>>)
        %dma_wait3A_97 = arith.constant 120 : i32
        %dma_wait3A_98 = arith.constant 0 : i32
        %dma_wait3A_99 = tpu.memref_slice %arg7[%dma_wait3A_97, %dma_wait3A_98] : memref<128x512xf32, #tpu.memory_space<vmem>> -> memref<8x512xf32, #tpu.memory_space<vmem>>
        %dma_wait3A_100 = arith.constant 0 : i32
        %dma_wait3A_101 = arith.constant 0 : i32
        %dma_wait3A_102 = tpu.memref_slice %arg5[%run_scoped3A, %dma_wait3A_100, %dma_wait3A_101] : memref<77x1000x512xf32, #tpu.memory_space<hbm>> -> memref<1x1000x512xf32, #tpu.memory_space<hbm>>
        %dma_wait3A_103 = tpu.memref_squeeze %dma_wait3A_102 : memref<1x1000x512xf32, #tpu.memory_space<hbm>> -> memref<1000x512xf32, #tpu.memory_space<hbm>>
        %dma_wait3A_104 = arith.constant 0 : i32
        %dma_wait3A_105 = tpu.memref_slice %dma_wait3A_103[%add3A_77, %dma_wait3A_104] : memref<1000x512xf32, #tpu.memory_space<hbm>> -> memref<8x512xf32, #tpu.memory_space<hbm>>
        %dma_wait3A_106 = arith.constant 0 : i32
        %dma_wait3A_107 = arith.constant 0 : i32
        %dma_wait3A_108 = tpu.memref_slice %arg5[%run_scoped3A, %dma_wait3A_106, %dma_wait3A_107] : memref<77x1000x512xf32, #tpu.memory_space<hbm>> -> memref<1x1000x512xf32, #tpu.memory_space<hbm>>
        %dma_wait3A_109 = tpu.memref_squeeze %dma_wait3A_108 : memref<1x1000x512xf32, #tpu.memory_space<hbm>> -> memref<1000x512xf32, #tpu.memory_space<hbm>>
        %dma_wait3A_110 = arith.constant 0 : i32
        %dma_wait3A_111 = tpu.memref_slice %dma_wait3A_109[%add3A_77, %dma_wait3A_110] : memref<1000x512xf32, #tpu.memory_space<hbm>> -> memref<8x512xf32, #tpu.memory_space<hbm>>
        %dma_wait3A_112 = arith.constant 120 : i32
        %dma_wait3A_113 = arith.constant 0 : i32
        %dma_wait3A_114 = tpu.memref_slice %arg7[%dma_wait3A_112, %dma_wait3A_113] : memref<128x512xf32, #tpu.memory_space<vmem>> -> memref<8x512xf32, #tpu.memory_space<vmem>>
        tpu.wait_dma2 semaphore(%run_scoped3A_78 : memref<!tpu.dma_semaphore, #tpu.memory_space<semaphore_mem>>) src(%dma_wait3A_114 : memref<8x512xf32, #tpu.memory_space<vmem>>) dst(%dma_wait3A_111 : memref<8x512xf32, #tpu.memory_space<hbm>>)
        tpu.yield
      }) : () -> ()
    } else {
    }
    %add3A_67 = arith.constant 24 : i32
    %add3A_68 = arith.addi %mul3A_2, %add3A_67 : i32
    %add3A_69 = arith.constant 8 : i32
    %add3A_70 = arith.addi %add3A_68, %add3A_69 : i32
    %le3A_71 = arith.constant 1000 : i32
    %le3A_72 = arith.cmpi sle, %add3A_70, %le3A_71 : i32
    %convert_element_type3A_73 = arith.extui %le3A_72 : i1 to i32
    %cond3A_74 = arith.constant 0 : i32
    %cond3A_75 = arith.cmpi ne, %convert_element_type3A_73, %cond3A_74 : i32
    scf.if %cond3A_75 {
      %add3A_76 = arith.constant 24 : i32
      %add3A_77 = arith.addi %mul3A_2, %add3A_76 : i32
      %run_scoped3A = arith.constant 16 : i32
      "tpu.region"() ({
        %run_scoped3A_78 = tpu.sem_alloc : memref<!tpu.dma_semaphore, #tpu.memory_space<semaphore_mem>>
        %dma_start3A_79 = arith.constant 120 : i32
        %dma_start3A_80 = arith.constant 0 : i32
        %dma_start3A_81 = tpu.memref_slice %arg7[%dma_start3A_79, %dma_start3A_80] : memref<128x512xf32, #tpu.memory_space<vmem>> -> memref<8x512xf32, #tpu.memory_space<vmem>>
        %dma_start3A_82 = arith.constant 0 : i32
        %dma_start3A_83 = arith.constant 0 : i32
        %dma_start3A_84 = tpu.memref_slice %arg5[%run_scoped3A, %dma_start3A_82, %dma_start3A_83] : memref<77x1000x512xf32, #tpu.memory_space<hbm>> -> memref<1x1000x512xf32, #tpu.memory_space<hbm>>
        %dma_start3A_85 = tpu.memref_squeeze %dma_start3A_84 : memref<1x1000x512xf32, #tpu.memory_space<hbm>> -> memref<1000x512xf32, #tpu.memory_space<hbm>>
        %dma_start3A_86 = arith.constant 0 : i32
        %dma_start3A_87 = tpu.memref_slice %dma_start3A_85[%add3A_77, %dma_start3A_86] : memref<1000x512xf32, #tpu.memory_space<hbm>> -> memref<8x512xf32, #tpu.memory_space<hbm>>
        %dma_start3A_88 = arith.constant 0 : i32
        %dma_start3A_89 = arith.constant 0 : i32
        %dma_start3A_90 = tpu.memref_slice %arg5[%run_scoped3A, %dma_start3A_88, %dma_start3A_89] : memref<77x1000x512xf32, #tpu.memory_space<hbm>> -> memref<1x1000x512xf32, #tpu.memory_space<hbm>>
        %dma_start3A_91 = tpu.memref_squeeze %dma_start3A_90 : memref<1x1000x512xf32, #tpu.memory_space<hbm>> -> memref<1000x512xf32, #tpu.memory_space<hbm>>
        %dma_start3A_92 = arith.constant 0 : i32
        %dma_start3A_93 = tpu.memref_slice %dma_start3A_91[%add3A_77, %dma_start3A_92] : memref<1000x512xf32, #tpu.memory_space<hbm>> -> memref<8x512xf32, #tpu.memory_space<hbm>>
        %dma_start3A_94 = arith.constant 120 : i32
        %dma_start3A_95 = arith.constant 0 : i32
        %dma_start3A_96 = tpu.memref_slice %arg7[%dma_start3A_94, %dma_start3A_95] : memref<128x512xf32, #tpu.memory_space<vmem>> -> memref<8x512xf32, #tpu.memory_space<vmem>>
        tpu.enqueue_dma source(%dma_start3A_96 : memref<8x512xf32, #tpu.memory_space<vmem>>) target(%dma_start3A_93 : memref<8x512xf32, #tpu.memory_space<hbm>>) target_semaphore(%run_scoped3A_78 : memref<!tpu.dma_semaphore, #tpu.memory_space<semaphore_mem>>)
        %dma_wait3A_97 = arith.constant 120 : i32
        %dma_wait3A_98 = arith.constant 0 : i32
        %dma_wait3A_99 = tpu.memref_slice %arg7[%dma_wait3A_97, %dma_wait3A_98] : memref<128x512xf32, #tpu.memory_space<vmem>> -> memref<8x512xf32, #tpu.memory_space<vmem>>
        %dma_wait3A_100 = arith.constant 0 : i32
        %dma_wait3A_101 = arith.constant 0 : i32
        %dma_wait3A_102 = tpu.memref_slice %arg5[%run_scoped3A, %dma_wait3A_100, %dma_wait3A_101] : memref<77x1000x512xf32, #tpu.memory_space<hbm>> -> memref<1x1000x512xf32, #tpu.memory_space<hbm>>
        %dma_wait3A_103 = tpu.memref_squeeze %dma_wait3A_102 : memref<1x1000x512xf32, #tpu.memory_space<hbm>> -> memref<1000x512xf32, #tpu.memory_space<hbm>>
        %dma_wait3A_104 = arith.constant 0 : i32
        %dma_wait3A_105 = tpu.memref_slice %dma_wait3A_103[%add3A_77, %dma_wait3A_104] : memref<1000x512xf32, #tpu.memory_space<hbm>> -> memref<8x512xf32, #tpu.memory_space<hbm>>
        %dma_wait3A_106 = arith.constant 0 : i32
        %dma_wait3A_107 = arith.constant 0 : i32
        %dma_wait3A_108 = tpu.memref_slice %arg5[%run_scoped3A, %dma_wait3A_106, %dma_wait3A_107] : memref<77x1000x512xf32, #tpu.memory_space<hbm>> -> memref<1x1000x512xf32, #tpu.memory_space<hbm>>
        %dma_wait3A_109 = tpu.memref_squeeze %dma_wait3A_108 : memref<1x1000x512xf32, #tpu.memory_space<hbm>> -> memref<1000x512xf32, #tpu.memory_space<hbm>>
        %dma_wait3A_110 = arith.constant 0 : i32
        %dma_wait3A_111 = tpu.memref_slice %dma_wait3A_109[%add3A_77, %dma_wait3A_110] : memref<1000x512xf32, #tpu.memory_space<hbm>> -> memref<8x512xf32, #tpu.memory_space<hbm>>
        %dma_wait3A_112 = arith.constant 120 : i32
        %dma_wait3A_113 = arith.constant 0 : i32
        %dma_wait3A_114 = tpu.memref_slice %arg7[%dma_wait3A_112, %dma_wait3A_113] : memref<128x512xf32, #tpu.memory_space<vmem>> -> memref<8x512xf32, #tpu.memory_space<vmem>>
        tpu.wait_dma2 semaphore(%run_scoped3A_78 : memref<!tpu.dma_semaphore, #tpu.memory_space<semaphore_mem>>) src(%dma_wait3A_114 : memref<8x512xf32, #tpu.memory_space<vmem>>) dst(%dma_wait3A_111 : memref<8x512xf32, #tpu.memory_space<hbm>>)
        tpu.yield
      }) : () -> ()
    } else {
    }
    return
  }
}

</mosaic_0001>

<sc_bundles>
// kernel: kernel.3.cloned.1.call-start
scs
__scs_entry_jumppad:
0x0: {  	(pc) =	sbr.rel $0x88, $3  }
0x1: {  	(tag) =	ssettag $0x0;
	lr =	simm.s32 $0x1  }
0x2: {  	[smem:$0x3F9E] =	sst lr;
	_ =	strace $0xD0000000  }
0x3: {  	_ = 	snop  }
0x4: {  	_ = 	snop  }
0x5: {  	_ = 	snop  }
0x6: {  	_ = 	snop  }
0x7: {  	_ = 	snop  }
__scs_overlays_trampoline_lowered:
0x8: {  	[smem:$0x3FAD] =	sst s0  }
0x9: {  	[smem:$0x3FAE] =	sst s1  }
0xa: {  	[smem:$0x3FAF] =	sst s2  }
0xb: {  	[smem:$0x3FB0] =	sst s3  }
0xc: {  	[smem:$0x3FB1] =	sst s4  }
0xd: {  	[smem:$0x3FB2] =	sst s5  }
0xe: {  	[smem:$0x3FB3] =	sst s6  }
0xf: {  	[smem:$0x3FB4] =	sst s7  }
0x10: {  	[smem:$0x3FB5] =	sst s8  }
0x11: {  	[smem:$0x3FB6] =	sst s9;
	s0 =	simm.s32 @!p0 $0x0  }
0x12: {  	s1 =	sld [smem:$0x3F9C];
	s0 =	simm.s32 @p0 $0x1  }
0x13: {  	[smem:$0x3FB7] =	sst s0;
	s0 =	simm.s32 @!p1 $0x0  }
0x14: {  	s2 =	sld [smem:$0x3F9B];
	s0 =	simm.s32 @p1 $0x1  }
0x15: {  	[smem:$0x3FB8] =	sst s0;
	s0 =	simm.s32 @!p2 $0x0  }
0x16: {  	s3 =	sld [smem:$0x3FDB];
	s0 =	simm.s32 @p2 $0x1  }
0x17: {  	s4 =	simm.s32 $0x1BF5;
	[smem:$0x3FBA] =	sst s0  }
0x18: {  	s0 =	sld [smem:$0x3F9D];
	_ =	swait.ge [sflag:s4], $0x0  }
0x19: {  	s7 =	sld [smem:$0x3F9E]  }
0x1a: {  	s8 =	sadd.s32 $0xFFFFE003, lr  }
0x1b: {  	s9 =	sadd.s32 $0xFFFFFEF7, lr;
	s5 =	simm.s32 $0xFFFFFFFF;
	p2 =	slt.u32 s8, $0xFFFFF086  }
0x1c: {  	p1 =	slt.u32 s9, $0xF7A;
	s5 =	simm.s32 @!p2 $0x0  }
0x1d: {  	s5 =	simm.s32 @p1 $0x1;
	p0 =	seq.s32 s7, s2  }
0x1e: {  	s7 =	smul.u32 @!p0 $0xF7A, s2;
	p2 =	seq.s32 @!p0 s5, $0x0  }
0x1f: {  	s9 =	smul.u32 $0xF7A, s1;
	s8 =	simm.s32 @!p0 $0x1BF5;
	p2 =	por !p2, p0  }
0x20: {  	[sflag:s8] =	ssyncset.s32 @!p0 $0xFFFFF086;
	s6 =	sadd.s32 @!p0 s3, s7;
	s7 =	simm.s32 @!p0 $0x108  }
0x21: {  	s3 =	sadd.s32 s3, s9;
	s6 =	sadd.s32 @!p0 $0x88, s6;
	s7 =	simm.s32 @p2 $0x1082  }
0x22: {  	[simem:s7], [sflag:s8] =	dma.local @!p0 [hbm:s6], $0xF7A  }
0x23: {  	s9 =	sor.u32 $0xD0000000, s2;
	s6 =	simm.s32 $0x108;
	_ =	swait.ge @!p0 [sflag:s8], $0x0  }
0x24: {  	s3 =	sadd.s32 $0x88, s3;
	s6 =	simm.s32 @!p1 $0x1082;
	[sflag:s4] =	ssyncset.s32 $0xFFFFF086  }
0x25: {  	[simem:s6], [sflag:s4] =	dma.local [hbm:s3], $0xF7A  }
0x26: {  	[smem:$0x3F9E] =	sst s1;
	(tag) =	ssettag s2;
	_ =	strace s9  }
0x27: {  	s1 =	sld [smem:$0x3FAE]  }
0x28: {  	s2 =	sld [smem:$0x3FAF]  }
0x29: {  	s4 =	sld [smem:$0x3FB1]  }
0x2a: {  	p0 =	seq.s32 s5, $0x0;
	s5 =	sld [smem:$0x3FB2]  }
0x2b: {  	s6 =	sld [smem:$0x3FB3]  }
0x2c: {  	s7 =	sld [smem:$0x3FB4]  }
0x2d: {  	s3 =	simm.s32 $0x108;
	s8 =	sld [smem:$0x3FB5]  }
0x2e: {  	s3 =	simm.s32 @!p0 $0x1082;
	s9 =	sld [smem:$0x3FB6]  }
0x2f: {  	lr =	sadd.s32 s0, s3;
	s0 =	sld [smem:$0x3FAD]  }
0x30: {  	s3 =	sld [smem:$0x3FB0]  }
0x31: {  	[smem:$0x3FB9] =	sst s10  }
0x32: {  	s10 =	sld [smem:$0x3FB7];
	_ =	sdelay $0x3  }
0x33: {  	p0 =	seq.s32 s10, $0x1;
	s10 =	sld [smem:$0x3FB9];
	_ =	sdelay $0x3  }
0x34: {  	[smem:$0x3FB9] =	sst s10  }
0x35: {  	s10 =	sld [smem:$0x3FB8];
	_ =	sdelay $0x3  }
0x36: {  	p1 =	seq.s32 s10, $0x1;
	s10 =	sld [smem:$0x3FB9];
	_ =	sdelay $0x3  }
0x37: {  	[smem:$0x3FB9] =	sst s10  }
0x38: {  	s10 =	sld [smem:$0x3FBA]  }
0x39: {  	_ = 	snop;
	(pc) =	sbr.ind lr, $3  }
0x3a: {  	_ = 	snop  }
0x3b: {  	_ = 	snop  }
0x3c: {  	p2 =	seq.s32 s10, $0x1;
	s10 =	sld [smem:$0x3FB9]  }
0x3d: {  	_ =	shalt  }
0x3e: {  	_ =	shalt  }
0x3f: {  	_ =	shalt  }
0x40: {  	_ =	shalt  }
0x41: {  	_ =	shalt  }
0x42: {  	_ =	shalt  }
0x43: {  	_ =	shalt  }
0x44: {  	_ =	shalt  }
0x45: {  	_ =	shalt  }
0x46: {  	_ =	shalt  }
0x47: {  	_ =	shalt  }
0x48: {  	_ =	shalt  }
0x49: {  	_ =	shalt  }
0x4a: {  	_ =	shalt  }
0x4b: {  	_ =	shalt  }
0x4c: {  	_ =	shalt  }
0x4d: {  	_ =	shalt  }
0x4e: {  	_ =	shalt  }
0x4f: {  	_ =	shalt  }
0x50: {  	_ =	shalt  }
0x51: {  	_ =	shalt  }
0x52: {  	_ =	shalt  }
0x53: {  	_ =	shalt  }
0x54: {  	_ =	shalt  }
0x55: {  	_ =	shalt  }
0x56: {  	_ =	shalt  }
0x57: {  	_ =	shalt  }
0x58: {  	_ =	shalt  }
0x59: {  	_ =	shalt  }
0x5a: {  	_ =	shalt  }
0x5b: {  	_ =	shalt  }
0x5c: {  	_ =	shalt  }
0x5d: {  	_ =	shalt  }
0x5e: {  	_ =	shalt  }
0x5f: {  	_ =	shalt  }
0x60: {  	_ =	shalt  }
0x61: {  	_ =	shalt  }
0x62: {  	_ =	shalt  }
0x63: {  	_ =	shalt  }
0x64: {  	_ =	shalt  }
0x65: {  	_ =	shalt  }
0x66: {  	_ =	shalt  }
0x67: {  	_ =	shalt  }
0x68: {  	_ =	shalt  }
0x69: {  	_ =	shalt  }
0x6a: {  	_ =	shalt  }
0x6b: {  	_ =	shalt  }
0x6c: {  	_ =	shalt  }
0x6d: {  	_ =	shalt  }
0x6e: {  	_ =	shalt  }
0x6f: {  	_ =	shalt  }
0x70: {  	_ =	shalt  }
0x71: {  	_ =	shalt  }
0x72: {  	_ =	shalt  }
0x73: {  	_ =	shalt  }
0x74: {  	_ =	shalt  }
0x75: {  	_ =	shalt  }
0x76: {  	_ =	shalt  }
0x77: {  	_ =	shalt  }
0x78: {  	_ =	shalt  }
0x79: {  	_ =	shalt  }
0x7a: {  	_ =	shalt  }
0x7b: {  	_ =	shalt  }
0x7c: {  	_ =	shalt  }
0x7d: {  	_ =	shalt  }
0x7e: {  	_ =	shalt  }
0x7f: {  	_ =	shalt  }
0x80: {  	_ =	shalt  }
0x81: {  	_ =	shalt  }
0x82: {  	_ =	shalt  }
0x83: {  	_ =	shalt  }
0x84: {  	_ =	shalt  }
0x85: {  	_ =	shalt  }
0x86: {  	_ =	shalt  }
0x87: {  	_ =	shalt  }
.Lfunc_end0:
.L_simem_size_0:
called_computation_lowered:
.L_overlay_start_0:
0x88: {  	s2 =	sld [smem:$0x3FD9]  }
0x89: {  	s3 =	sld [smem:$0x3FFE];
	_ =	sdelay $0x1  }
0x8a: {  	s1 =	srdreg.scid  }
0x8b: {  	s0 =	sand.u32 $0x1, s1  }
0x8c: {  	s17 =	sshll.u32 s0, $0xA;
	s2 =	sadd.s32 s3, s2  }
0x8d: {  	s2 =	sadd.s32 s2, s17  }
0x8e: {  	[smem:$0x3FC5] =	sst s2  }
0x8f: {  	_ = 	snop  }
0x90: {  	s2 =	sld [smem:$0x3FC8]  }
0x91: {  	s18 =	sld [smem:$0x3FD0];
	(tm) =	ssettm $0x1  }
0x92: {  	s4 =	sld [smem:$0x3FFB];
	_ =	sdelay $0x3  }
0x93: {  	_ =	strace s4  }
0x94: {  	s4 =	sld [smem:$0x3FFC];
	_ =	sdelay $0x3  }
0x95: {  	_ =	strace s4  }
0x96: {  	s4 =	sld [smem:$0x3FFD];
	_ =	sdelay $0x3  }
0x97: {  	_ =	strace s4  }
0x98: {  	_ =	strace $0x8FFFFFFF  }
0x99: {  	s19 =	sld [smem:$0x3FDB];
	_ =	sdelay $0x1  }
0x9a: {  	s5 =	simm.s32 $_scs_section_size  }
0x9b: {  	s6 =	simm.s32 $_size__tile_overlayer_lowered;
	s7 =	simm.s32 $_tile_overlayer_lowered  }
0x9c: {  	s22 =	simm.s32 $0x1BFF;
	s21 =	sshll.u32 s7, $0x1;
	s4 =	sadd.s32 s5, s19  }
0x9d: {  	s8 =	simm.s32 $0x0;
	s20 =	sshll.u32 s6, $0x1;
	s6 =	sadd.s32 s21, s4  }
0x9e: {  	[timem:s8], [sflag:s22] =	dma.local [hbm:s6], s20  }
0x9f: {  	_ =	swait.ge [sflag:s22], s20  }
0xa0: {  	s5 =	ssub.s32 $0x0, s20;
	[sflag:s22] =	ssyncset.done $0x0  }
0xa1: {  	[sflag:s22] =	ssyncadd.s32 s5;
	_ =	sdelay $0x1  }
0xa2: {  	s23 =	simm.s32 $0x1B8B  }
0xa3: {  	_ =	swait.ge [sflag:s23], $0x1  }
0xa4: {  	[sflag:s23] =	ssyncset.done $0x0  }
0xa5: {  	s25 =	simm.s32 $0x1B8E;
	s24 =	sld [smem:$0x3FFE];
	[sflag:s23] =	ssyncadd.s32 $0xFFFFFFFF  }
0xa6: {  	s26 =	simm.s32 $execute0_lowered;
	[smem:$0x3FD2] =	sst s25  }
0xa7: {  	s6 =	sshll.u32 s26, $0x1;
	_ =	strace $0x80000046;
	[dreg:$0x1] =	wrdreg $0xFFFFFFFF  }
0xa8: {  	s28 =	simm.s32 $_size_execute0_lowered;
	s4 =	sadd.s32 s4, s6;
	[dreg:$0x0] =	wrdreg $0x0  }
0xa9: {  	s6 =	sshll.u32 s28, $0x1;
	[dreg:$0x2] =	wrdreg s4  }
0xaa: {  	[dreg:$0x3] =	wrdreg s6  }
0xab: {  	[dreg:$0x4] =	wrdreg $0xC0  }
0xac: {  	_ =	task [dreg:s8], $0x5FFFF  }
0xad: {  	[dreg:$0x1] =	wrdreg $0xFFFFFFFF  }
0xae: {  	[dreg:$0x0] =	wrdreg $0x60  }
0xaf: {  	[dreg:$0x2] =	wrdreg s24  }
0xb0: {  	[dreg:$0x3] =	wrdreg s2  }
0xb1: {  	[dreg:$0x4] =	wrdreg s18  }
0xb2: {  	[dreg:$0x5] =	wrdreg $0x9  }
0xb3: {  	_ =	task.clear_ibuf [dreg:s8], $0x6FFFF;
	_ =	strace $0x90000046  }
0xb4: {  	s29 =	simm.s32 $0x9;
	_ =	strace $0x80000048  }
0xb5: {  	_ =	swait.ge [sflag:s29], $0x1  }
0xb6: {  	[sflag:s29] =	ssyncadd.s32 $0xFFFFFFFF  }
0xb7: {  	_ =	strace $0x90000048  }
0xb8: {  	_ =	sfence  }
0xb9: {  	s30 =	sld [smem:$0x0];
	_ =	sdelay $0x2  }
0xba: {  	s31 =	sshll.u32 s1, $0xD;
	s1 =	sshrl.u32 s1, $0x2  }
0xbb: {  	s3 =	sand.u32 $0x4000, s31;
	s1 =	sadd.s32 s1, s30  }
0xbc: {  	s0 =	sor.u32 s3, s0;
	s1 =	sshll.u32 s1, $0x11  }
0xbd: {  	s0 =	sor.u32 s1, s0  }
0xbe: {  	s0 =	sadd.s32 $0x8F2B, s0  }
0xbf: {  	[sflag:s0] =	ssyncadd.remote.s32 $0x1  }
0xc0: {  	_ =	sfence.sel $0xFFFF  }
0xc1: {  	[dreg:$0x0] =	wrdreg $0xFFFFFFFF;
	(pc) =	sbr.abs _section_cstart, $3  }
0xc2: {  	[dreg:$0x1] =	wrdreg $0xFFFFFFFF  }
0xc3: {  	_ =	task.clear_ibuf [dreg:s8], $0x2FFFF;
	_ =	strace $0x9FFFFFFF  }
0xc4: {  	(tm) =	ssettm $0x7FFFFFFF  }
0xc5: {  	_ =	shalt  }
tec
execute0_lowered:
.L_overlay_start_1:
0x0: {  	(tag) =	ssettag $0x1  }
0x1: {  	s0 =	rddreg [dreg:$0x0]  }
0x2: {  	s2 =	rddreg [dreg:$0x1];
	s1 =	srdreg.scid  }
0x3: {  	s4 =	stileid.u32;
	s3 =	rddreg [dreg:$0x2];
	s21 =	simm.s32 $0x16680  }
0x4: {  	s22 =	simm.s32 $0x16E80;
	s5 =	sshll.u32 s4, $0x1;
	s4 =	simm.s32 $0x0  }
0x5: {  	s14 =	simm.s32 $0x3;
	s20 =	sadd.s32 $0x4A3800, s3;
	[smem:$0x7FF] =	sst s4  }
0x6: {  	s13 =	sadd.s32 $0x109A00, s3;
	_ =	strace $0x80000047;
	[dreg:$0xf] =	wrdreg s20  }
0x7: {  	s23 =	simm.s32 $0x17680;
	s24 =	simm.s32 $0x17E80;
	[dreg:$0x4] =	wrdreg s13  }
0x8: {  	s16 =	simm.s32 $0x12680;
	s25 =	simm.s32 $0x18680;
	[dreg:$0x5] =	wrdreg s21  }
0x9: {  	s17 =	simm.s32 $0x12E80;
	s26 =	simm.s32 $0x18E80;
	[dreg:$0x6] =	wrdreg s22  }
0xa: {  	s29 =	simm.s32 $0x19680;
	s31 =	simm.s32 $0x19E80;
	[dreg:$0x7] =	wrdreg s23  }
0xb: {  	s28 =	simm.s32 $0x2;
	s30 =	simm.s32 $0x0;
	[dreg:$0x8] =	wrdreg s24  }
0xc: {  	s1 =	sand.u32 $0x1, s1;
	s8 =	sadd.s32 $0x100, s2;
	[dreg:$0x9] =	wrdreg s25  }
0xd: {  	s11 =	sadd.s32 $0xFA000, s3;
	s5 =	sor.u32 s1, s5;
	[dreg:$0xa] =	wrdreg s26  }
0xe: {  	s1 =	ssub.s32 $0x2, s1;
	s6 =	smul.u32 $0x4D0, s5;
	[dreg:$0xb] =	wrdreg s29  }
0xf: {  	s18 =	sshrl.u32 s1, $0x1;
	s9 =	sshll.u32 s5, $0xB;
	[dreg:$0xc] =	wrdreg s31  }
0x10: {  	s20 =	simm.s32 $0x14680;
	p0 =	seq.s32 s5, $0x1F;
	p1 =	sne.s32 s5, $0x1F  }
0x11: {  	s21 =	simm.s32 $0x14E80;
	s22 =	simm.s32 $0x15680;
	s23 =	simm.s32 $0x15E80  }
0x12: {  	s26 =	simm.s32 $0x1;
	s10 =	sor.u32 $0x200, s9;
	s7 =	sadd.s32 s6, s0  }
0x13: {  	s0 =	sadd.s32 $0x600, s0;
	s6 =	sshll.u32 s5, $0x5;
	[dreg:$0x11] =	wrdreg s10  }
0x14: {  	[dreg:$0xd] =	wrdreg s0;
	s0 =	ssub.s32 s1, s18;
	s19 =	sadd.s32 $0x2600, s7  }
0x15: {  	s1 =	sor.u32 $0x10, s6;
	s7 =	sor.u32 $0x18, s6;
	[dreg:$0xe] =	wrdreg s19  }
0x16: {  	s12 =	sshll.u32 s1, $0x6;
	s0 =	smax.u32 s0, $0x1;
	p3 =	sgt.u32 s7, $0x3E8  }
0x17: {  	v2 =	vlaneseq.u32;
	s15 =	sshll.u32 s7, $0x6;
	[dreg:$0x10] =	wrdreg s0;
	s0 =	sadd.s32 @!p3 s12, s11  }
0x18: {  	vm0 =	vmmov $0xffff;
	v1 =	vshrl.u32 v2, $0x3;
	s18 =	simm.s32 $0x13680;
	[dreg:$0x12] =	wrdreg s0;
	s0 =	sadd.s32 @!p0 s15, s11  }
0x19: {  	v0 =	vand.u32 $0x7, v2;
	v2 =	vor.u32 $0x8, v2;
	v1 =	vmul.u32 $0x8, v1;
	s19 =	simm.s32 $0x13E80;
	p2 =	sgt.u32 s1, $0x3E8;
	[dreg:$0x13] =	wrdreg s0  }
.LBB2_1:
0x1a: {  	s0 =	rddreg [dreg:$0xe]  }
0x1b: {  	[tilespmem:s4], [sflag:$0x3] =	stream.linear.gather [hbm4b:s0+s4], $0x2680, $0x38;
	[tilespmem:$0x1A680] =	vst v63  }
0x1c: {  	_ =	swait.ge [sflag:s14], $0x2680  }
0x1d: {  	[sflag:s14] =	ssyncset.done $0x0  }
0x1e: {  	s1 =	simm.s32 $0x2680;
	s29 =	rddreg [dreg:$0xd];
	[sflag:s14] =	ssyncadd.s32 $0xFFFFD980  }
0x1f: {  	[tilespmem:s1], [sflag:$0x3] =	stream.linear.gather [hbm4b:s29+s4], $0x10000, $0x38;
	[tilespmem:$0x1A680] =	vst v63  }
0x20: {  	_ =	swait.ge [sflag:s14], $0x10000  }
0x21: {  	[sflag:s14] =	ssyncset.done $0x0  }
0x22: {  	[sflag:s14] =	ssyncadd.s32 $0xFFFF0000  }
0x23: {  	v3 =	vld [tilespmem:$0x0];
	_ =	sdelay $0x4  }
0x24: {  	v4 =	vshll.u32 v3, $0x2  }
0x25: {  	v3 =	vand.u32 $0x7, v3;
	v4 =	vand.u32 $0xFFFFFFE0, v4  }
0x26: {  	v3 =	vor.u32 v3, v4  }
0x27: {  	v4 =	vperm.xlane v3, v0;
	_ =	sdelay $0x1  }
0x28: {  	v4 =	vadd.s32 v1, v4;
	_ =	sdelay $0x1  }
0x29: {  	v3 =	vperm.xlane v3, v2;
	_ =	sdelay $0x1  }
0x2a: {  	v3 =	vadd.s32 v1, v3  }
0x2b: {  	[tilespmem:s16], [sflag:$0x1] =	stream.indirect_vreg.gather [hbm4b:s2+s4], $0x80, v4, vm0, $0xb8;
	[tilespmem:$0x1A680] =	vst v63  }
0x2c: {  	_ = 	snop  }
0x2d: {  	[tilespmem:s17], [sflag:$0x1] =	stream.indirect_vreg.gather [hbm4b:s8+s4], $0x80, v4, vm0, $0xb8;
	[tilespmem:$0x1A680] =	vst v63  }
0x2e: {  	_ = 	snop  }
0x2f: {  	[tilespmem:s18], [sflag:$0x1] =	stream.indirect_vreg.gather [hbm4b:s2+s4], $0x80, v3, vm0, $0xb8;
	[tilespmem:$0x1A680] =	vst v63  }
0x30: {  	_ = 	snop  }
0x31: {  	[tilespmem:s19], [sflag:$0x1] =	stream.indirect_vreg.gather [hbm4b:s8+s4], $0x80, v3, vm0, $0xb8;
	[tilespmem:$0x1A680] =	vst v63  }
0x32: {  	v3 =	vld [tilespmem:$0x10];
	_ =	sdelay $0x4  }
0x33: {  	v63 =	vshll.u32 v3, $0x2  }
0x34: {  	v3 =	vand.u32 $0x7, v3;
	v4 =	vand.u32 $0xFFFFFFE0, v63  }
0x35: {  	v3 =	vor.u32 v3, v4  }
0x36: {  	v4 =	vperm.xlane v3, v0;
	_ =	sdelay $0x1  }
0x37: {  	v4 =	vadd.s32 v1, v4;
	_ =	sdelay $0x1  }
0x38: {  	v3 =	vperm.xlane v3, v2;
	_ =	sdelay $0x1  }
0x39: {  	v3 =	vadd.s32 v1, v3  }
0x3a: {  	[tilespmem:s20], [sflag:$0x1] =	stream.indirect_vreg.gather [hbm4b:s2+s4], $0x80, v4, vm0, $0xb8;
	[tilespmem:$0x1A680] =	vst v63  }
0x3b: {  	_ = 	snop  }
0x3c: {  	[tilespmem:s21], [sflag:$0x1] =	stream.indirect_vreg.gather [hbm4b:s8+s4], $0x80, v4, vm0, $0xb8;
	[tilespmem:$0x1A680] =	vst v63  }
0x3d: {  	s31 =	simm.s32 $0x910  }
0x3e: {  	[tilespmem:s22], [sflag:$0x1] =	stream.indirect_vreg.gather [hbm4b:s2+s4], $0x80, v3, vm0, $0xb8;
	[tilespmem:$0x1A680] =	vst v63  }
0x3f: {  	s15 =	simm.s32 $0x0;
	s0 =	simm.s32 $0x0;
	s1 =	simm.s32 $0x0  }
0x40: {  	[tilespmem:s23], [sflag:$0x1] =	stream.indirect_vreg.gather [hbm4b:s8+s4], $0x80, v3, vm0, $0xb8;
	[tilespmem:$0x1A680] =	vst v63  }
.LBB2_2:
0x41: {  	v3 =	vld [tilespmem:s31+$0xFFFFFF70];
	_ =	sdelay $0x4  }
0x42: {  	v4 =	vshll.u32 v3, $0x2  }
0x43: {  	v3 =	vand.u32 $0x7, v3;
	v4 =	vand.u32 $0xFFFFFFE0, v4  }
0x44: {  	v3 =	vor.u32 v3, v4  }
0x45: {  	v4 =	vperm.xlane v3, v0;
	_ =	sdelay $0x1  }
0x46: {  	v4 =	vadd.s32 v1, v4;
	_ =	sdelay $0x1  }
0x47: {  	v3 =	vperm.xlane v3, v2;
	_ =	sdelay $0x1  }
0x48: {  	s5 =	rddreg [dreg:$0x5];
	v3 =	vadd.s32 v1, v3  }
0x49: {  	[tilespmem:s5], [sflag:$0x2] =	stream.indirect_vreg.gather [hbm4b:s2+s4], $0x80, v4, vm0, $0xb8;
	[tilespmem:$0x1A680] =	vst v63  }
0x4a: {  	s7 =	rddreg [dreg:$0x6]  }
0x4b: {  	[tilespmem:s7], [sflag:$0x2] =	stream.indirect_vreg.gather [hbm4b:s8+s4], $0x80, v4, vm0, $0xb8;
	[tilespmem:$0x1A680] =	vst v63  }
0x4c: {  	s24 =	rddreg [dreg:$0x7]  }
0x4d: {  	[tilespmem:s24], [sflag:$0x2] =	stream.indirect_vreg.gather [hbm4b:s2+s4], $0x80, v3, vm0, $0xb8;
	[tilespmem:$0x1A680] =	vst v63  }
0x4e: {  	s25 =	rddreg [dreg:$0x8]  }
0x4f: {  	[tilespmem:s25], [sflag:$0x2] =	stream.indirect_vreg.gather [hbm4b:s8+s4], $0x80, v3, vm0, $0xb8;
	[tilespmem:$0x1A680] =	vst v63  }
0x50: {  	v3 =	vld [tilespmem:s31+$0xFFFFFF80];
	_ =	sdelay $0x4  }
0x51: {  	v61 =	vshll.u32 v3, $0x2  }
0x52: {  	v3 =	vand.u32 $0x7, v3;
	v4 =	vand.u32 $0xFFFFFFE0, v61  }
0x53: {  	v3 =	vor.u32 v3, v4  }
0x54: {  	v4 =	vperm.xlane v3, v0;
	_ =	sdelay $0x1  }
0x55: {  	v4 =	vadd.s32 v1, v4;
	_ =	sdelay $0x1  }
0x56: {  	v3 =	vperm.xlane v3, v2;
	_ =	sdelay $0x1  }
0x57: {  	s7 =	rddreg [dreg:$0x9];
	v3 =	vadd.s32 v1, v3  }
0x58: {  	[tilespmem:s7], [sflag:$0x2] =	stream.indirect_vreg.gather [hbm4b:s2+s4], $0x80, v4, vm0, $0xb8;
	[tilespmem:$0x1A680] =	vst v63  }
0x59: {  	s10 =	rddreg [dreg:$0xa]  }
0x5a: {  	[tilespmem:s10], [sflag:$0x2] =	stream.indirect_vreg.gather [hbm4b:s8+s4], $0x80, v4, vm0, $0xb8;
	[tilespmem:$0x1A680] =	vst v63  }
0x5b: {  	s12 =	rddreg [dreg:$0xb]  }
0x5c: {  	[tilespmem:s12], [sflag:$0x2] =	stream.indirect_vreg.gather [hbm4b:s2+s4], $0x80, v3, vm0, $0xb8;
	[tilespmem:$0x1A680] =	vst v63  }
0x5d: {  	s13 =	rddreg [dreg:$0xc];
	p4 =	seq.s32 s0, $0x0;
	s5 =	sadd.s32 $0xFA000, s0  }
0x5e: {  	[tilespmem:s13], [sflag:$0x2] =	stream.indirect_vreg.gather [hbm4b:s8+s4], $0x80, v3, vm0, $0xb8;
	[tilespmem:$0x1A680] =	vst v63  }
0x5f: {  	s5 =	simm.s32 @p4 $0x0;
	_ =	swait.ge [sflag:s26], $0x4000  }
0x60: {  	s29 =	simm.s32 @p0 $0x12680;
	s5 =	sadd.s32 s3, s5;
	[sflag:s26] =	ssyncset.done $0x0  }
0x61: {  	s7 =	simm.s32 @p0 $0x0;
	s12 =	sadd.s32 @p0 $0xF800, s5;
	[sflag:s26] =	ssyncadd.s32 $0xFFFFC000  }
0x62: {  	[hbm4b:s12+s7] =	stream.linear.scatter @p0 [tilespmem:s29], [sflag:$0x4], $0x1000, $0x38;
	[tilespmem:$0x1A680] =	vst v63  }
0x63: {  	s12 =	simm.s32 @p0 $0x4  }
0x64: {  	_ =	swait.ge @p0 [sflag:s12], $0x1000  }
0x65: {  	s24 =	sand.u32 $0x10, s1;
	s5 =	sadd.s32 @!p0 s9, s5;
	[sflag:s12] =	ssyncset.done @p0 $0x0  }
0x66: {  	s13 =	simm.s32 @!p0 $0x12680;
	s29 =	simm.s32 @!p0 $0x0;
	[sflag:s12] =	ssyncadd.s32 @p0 $0xFFFFF000  }
0x67: {  	[hbm4b:s5+s29] =	stream.linear.scatter @!p0 [tilespmem:s13], [sflag:$0x4], $0x4000, $0x38;
	[tilespmem:$0x1A680] =	vst v63  }
0x68: {  	s13 =	sor.u32 s6, s24  }
0x69: {  	p4 =	sgt.u32 s13, $0x3E0  }
0x6a: {  	s24 =	sshrl.u32 @!p4 s15, $0x1  }
0x6b: {  	s5 =	simm.s32 @!p0 $0x4;
	s24 =	smul.u32 @!p4 $0x7D000, s24  }
0x6c: {  	_ =	swait.ge @!p0 [sflag:s5], $0x4000  }
0x6d: {  	[sflag:s5] =	ssyncset.done @!p0 $0x0;
	s24 =	sshrl.u32 @!p4 s24, $0x3  }
0x6e: {  	s25 =	sshll.u32 @!p4 s13, $0x6;
	s10 =	sshll.u32 @!p4 s15, $0xB;
	s24 =	sadd.s32 @!p4 s3, s24  }
0x6f: {  	[sflag:s5] =	ssyncadd.s32 @!p0 $0xFFFFC000;
	s10 =	sand.u32 @!p4 $0x3FFFF000, s10;
	s24 =	sadd.s32 @!p4 s25, s24  }
0x70: {  	s10 =	sadd.s32 @!p4 $0x2680, s10;
	s25 =	simm.s32 @!p4 $0x0;
	s24 =	sadd.s32 @!p4 $0xFA00, s24  }
0x71: {  	[hbm4b:s24+s25] =	stream.linear.scatter @!p4 [tilespmem:s10], [sflag:$0x4], $0x1000, $0x38;
	[tilespmem:$0x1A680] =	vst v63  }
0x72: {  	s10 =	simm.s32 @!p4 $0x4  }
0x73: {  	_ =	swait.ge @!p4 [sflag:s10], $0x1000  }
0x74: {  	[sflag:s10] =	ssyncset.done @!p4 $0x0  }
0x75: {  	[sflag:s10] =	ssyncadd.s32 @!p4 $0xFFFFF000  }
0x76: {  	v3 =	vld [tilespmem:s31+$0xFFFFFFF0];
	_ =	sdelay $0x4  }
0x77: {  	v62 =	vshll.u32 v3, $0x2  }
0x78: {  	v3 =	vand.u32 $0x7, v3;
	v4 =	vand.u32 $0xFFFFFFE0, v62  }
0x79: {  	v3 =	vor.u32 v3, v4  }
0x7a: {  	v4 =	vperm.xlane v3, v0;
	_ =	sdelay $0x1  }
0x7b: {  	v4 =	vadd.s32 v1, v4;
	_ =	sdelay $0x1  }
0x7c: {  	v3 =	vperm.xlane v3, v2;
	_ =	sdelay $0x1  }
0x7d: {  	v3 =	vadd.s32 v1, v3  }
0x7e: {  	[tilespmem:s16], [sflag:$0x1] =	stream.indirect_vreg.gather [hbm4b:s2+s4], $0x80, v4, vm0, $0xb8;
	[tilespmem:$0x1A680] =	vst v63  }
0x7f: {  	_ = 	snop  }
0x80: {  	[tilespmem:s17], [sflag:$0x1] =	stream.indirect_vreg.gather [hbm4b:s8+s4], $0x80, v4, vm0, $0xb8;
	[tilespmem:$0x1A680] =	vst v63  }
0x81: {  	_ = 	snop  }
0x82: {  	[tilespmem:s18], [sflag:$0x1] =	stream.indirect_vreg.gather [hbm4b:s2+s4], $0x80, v3, vm0, $0xb8;
	[tilespmem:$0x1A680] =	vst v63  }
0x83: {  	_ = 	snop  }
0x84: {  	[tilespmem:s19], [sflag:$0x1] =	stream.indirect_vreg.gather [hbm4b:s8+s4], $0x80, v3, vm0, $0xb8;
	[tilespmem:$0x1A680] =	vst v63  }
0x85: {  	v3 =	vld [tilespmem:s31+$0x0];
	_ =	sdelay $0x4  }
0x86: {  	v63 =	vshll.u32 v3, $0x2  }
0x87: {  	v3 =	vand.u32 $0x7, v3;
	v4 =	vand.u32 $0xFFFFFFE0, v63  }
0x88: {  	v3 =	vor.u32 v3, v4  }
0x89: {  	v4 =	vperm.xlane v3, v0;
	_ =	sdelay $0x1  }
0x8a: {  	v4 =	vadd.s32 v1, v4;
	_ =	sdelay $0x1  }
0x8b: {  	v3 =	vperm.xlane v3, v2;
	_ =	sdelay $0x1  }
0x8c: {  	v3 =	vadd.s32 v1, v3  }
0x8d: {  	[tilespmem:s20], [sflag:$0x1] =	stream.indirect_vreg.gather [hbm4b:s2+s4], $0x80, v4, vm0, $0xb8;
	[tilespmem:$0x1A680] =	vst v63  }
0x8e: {  	_ = 	snop  }
0x8f: {  	[tilespmem:s21], [sflag:$0x1] =	stream.indirect_vreg.gather [hbm4b:s8+s4], $0x80, v4, vm0, $0xb8;
	[tilespmem:$0x1A680] =	vst v63  }
0x90: {  	_ = 	snop  }
0x91: {  	[tilespmem:s22], [sflag:$0x1] =	stream.indirect_vreg.gather [hbm4b:s2+s4], $0x80, v3, vm0, $0xb8;
	[tilespmem:$0x1A680] =	vst v63  }
0x92: {  	_ = 	snop  }
0x93: {  	[tilespmem:s23], [sflag:$0x1] =	stream.indirect_vreg.gather [hbm4b:s8+s4], $0x80, v3, vm0, $0xb8;
	[tilespmem:$0x1A680] =	vst v63  }
0x94: {  	_ =	swait.ge [sflag:s28], $0x4000  }
0x95: {  	s25 =	rddreg [dreg:$0x4]  }
0x96: {  	[sflag:s28] =	ssyncset.done $0x0;
	s10 =	sadd.s32 s0, s25  }
0x97: {  	[sflag:s28] =	ssyncadd.s32 $0xFFFFC000;
	s25 =	simm.s32 @p0 $0x16680;
	s24 =	sadd.s32 @p0 $0xF800, s10  }
0x98: {  	[hbm4b:s24+s7] =	stream.linear.scatter @p0 [tilespmem:s25], [sflag:$0x4], $0x1000, $0x38;
	[tilespmem:$0x1A680] =	vst v63  }
0x99: {  	_ =	swait.ge @p0 [sflag:s12], $0x1000  }
0x9a: {  	[sflag:s12] =	ssyncset.done @p0 $0x0  }
0x9b: {  	s7 =	sadd.s32 @!p0 s9, s10;
	s10 =	simm.s32 @!p0 $0x16680;
	[sflag:s12] =	ssyncadd.s32 @p0 $0xFFFFF000  }
0x9c: {  	[hbm4b:s7+s29] =	stream.linear.scatter @!p0 [tilespmem:s10], [sflag:$0x4], $0x4000, $0x38;
	[tilespmem:$0x1A680] =	vst v63  }
0x9d: {  	s7 =	sor.u32 $0x8, s13  }
0x9e: {  	p4 =	sgt.u32 s7, $0x3E0  }
0x9f: {  	s10 =	sshrl.u32 @!p4 s15, $0x1  }
0xa0: {  	s10 =	smul.u32 @!p4 $0x7D000, s10  }
0xa1: {  	_ =	swait.ge @!p0 [sflag:s5], $0x4000  }
0xa2: {  	[sflag:s5] =	ssyncset.done @!p0 $0x0;
	s10 =	sshrl.u32 @!p4 s10, $0x3  }
0xa3: {  	s7 =	sshll.u32 @!p4 s7, $0x6;
	s12 =	sshll.u32 @!p4 s15, $0xB;
	s10 =	sadd.s32 @!p4 s3, s10  }
0xa4: {  	[sflag:s5] =	ssyncadd.s32 @!p0 $0xFFFFC000;
	s5 =	sadd.s32 @!p4 s7, s10;
	s7 =	sand.u32 @!p4 $0x3FFFF000, s12  }
0xa5: {  	s10 =	simm.s32 @!p4 $0x0;
	s7 =	sadd.s32 @!p4 $0x2680, s7;
	s5 =	sadd.s32 @!p4 $0xFA00, s5  }
0xa6: {  	[hbm4b:s5+s10] =	stream.linear.scatter @!p4 [tilespmem:s7], [sflag:$0x3], $0x1000, $0x38;
	[tilespmem:$0x1A680] =	vst v63  }
0xa7: {  	s5 =	simm.s32 @!p4 $0x3  }
0xa8: {  	_ =	swait.ge @!p4 [sflag:s5], $0x1000  }
0xa9: {  	s0 =	sadd.s32 $0x1F400, s0;
	[sflag:s5] =	ssyncset.done @!p4 $0x0  }
0xaa: {  	[sflag:s5] =	ssyncadd.s32 @!p4 $0xFFFFF000;
	p4 =	sne.s32 s0, $0x3A9800  }
.Ltmp0:
0xab: {  	_ = 	snop;
	(pc) =	sbr.rel @p4 .LBB2_2-.Ltmp0, $2  }
0xac: {  	_ =	sdelay $0x2  }
0xad: {  	s1 =	sadd.s32 $0x10, s1;
	s31 =	sadd.s32 $0x100, s31;
	s15 =	sadd.s32 $0x1, s15  }
0xae: {  	_ =	swait.ge [sflag:s26], $0x4000  }
0xaf: {  	s1 =	simm.s32 @p1 $0x0;
	[sflag:s26] =	ssyncset.done $0x0;
	s7 =	rddreg [dreg:$0xf]  }
0xb0: {  	s5 =	simm.s32 @p1 $0x12680;
	[sflag:s26] =	ssyncadd.s32 $0xFFFFC000;
	s0 =	sadd.s32 @p1 s9, s7  }
0xb1: {  	[hbm4b:s0+s1] =	stream.linear.scatter @p1 [tilespmem:s5], [sflag:$0x3], $0x4000, $0x38;
	[tilespmem:$0x1A680] =	vst v63  }
0xb2: {  	s0 =	simm.s32 @p1 $0x3  }
0xb3: {  	_ =	swait.ge @p1 [sflag:s0], $0x4000  }
0xb4: {  	s1 =	simm.s32 @!p1 $0x0;
	[sflag:s0] =	ssyncset.done @p1 $0x0  }
0xb5: {  	s5 =	simm.s32 @!p1 $0x12680;
	[sflag:s0] =	ssyncadd.s32 @p1 $0xFFFFC000;
	s0 =	sadd.s32 @!p1 $0xF800, s7  }
0xb6: {  	[hbm4b:s0+s1] =	stream.linear.scatter @!p1 [tilespmem:s5], [sflag:$0x3], $0x1000, $0x38;
	[tilespmem:$0x1A680] =	vst v63  }
0xb7: {  	s0 =	simm.s32 @!p1 $0x3  }
0xb8: {  	_ =	swait.ge @!p1 [sflag:s0], $0x1000  }
0xb9: {  	[sflag:s0] =	ssyncset.done @!p1 $0x0  }
0xba: {  	s24 =	sadd.s32 s9, s11;
	s25 =	simm.s32 $0x11680;
	[sflag:s0] =	ssyncadd.s32 @!p1 $0xFFFFF000  }
0xbb: {  	[hbm4b:s24+s4] =	stream.linear.scatter [tilespmem:s25], [sflag:$0x3], $0x1000, $0x38;
	[tilespmem:$0x1A680] =	vst v63  }
0xbc: {  	_ =	swait.ge [sflag:s14], $0x1000  }
0xbd: {  	s0 =	rddreg [dreg:$0x11]  }
0xbe: {  	s1 =	simm.s32 @!p2 $0x0;
	[sflag:s14] =	ssyncset.done $0x0;
	s0 =	simm.s32 @!p1 $0xFA00  }
0xbf: {  	s5 =	simm.s32 @!p2 $0x11680;
	[sflag:s14] =	ssyncadd.s32 $0xFFFFF000;
	s0 =	sadd.s32 @!p2 s0, s11  }
0xc0: {  	[hbm4b:s0+s1] =	stream.linear.scatter @!p2 [tilespmem:s5], [sflag:$0x3], $0x1000, $0x38;
	[tilespmem:$0x1A680] =	vst v63  }
0xc1: {  	s0 =	simm.s32 @!p2 $0x3  }
0xc2: {  	_ =	swait.ge @!p2 [sflag:s0], $0x1000  }
0xc3: {  	s1 =	simm.s32 @!p3 $0x11680;
	[sflag:s0] =	ssyncset.done @!p2 $0x0  }
0xc4: {  	s5 =	rddreg [dreg:$0x12];
	[sflag:s0] =	ssyncadd.s32 @!p2 $0xFFFFF000;
	s0 =	simm.s32 @!p3 $0x0  }
0xc5: {  	[hbm4b:s5+s0] =	stream.linear.scatter @!p3 [tilespmem:s1], [sflag:$0x3], $0x1000, $0x38;
	[tilespmem:$0x1A680] =	vst v63  }
0xc6: {  	s0 =	simm.s32 @!p3 $0x3  }
0xc7: {  	_ =	swait.ge @!p3 [sflag:s0], $0x1000  }
0xc8: {  	[sflag:s0] =	ssyncset.done @!p3 $0x0  }
0xc9: {  	s1 =	rddreg [dreg:$0x13];
	[sflag:s0] =	ssyncadd.s32 @!p3 $0xFFFFF000;
	s0 =	simm.s32 @!p0 $0x11680  }
0xca: {  	[hbm4b:s1+s29] =	stream.linear.scatter @!p0 [tilespmem:s0], [sflag:$0x3], $0x1000, $0x38;
	[tilespmem:$0x1A680] =	vst v63  }
0xcb: {  	s0 =	simm.s32 @!p0 $0x3  }
0xcc: {  	_ =	swait.ge @!p0 [sflag:s0], $0x1000  }
0xcd: {  	s30 =	sadd.s32 $0x1, s30;
	s31 =	rddreg [dreg:$0x10]  }
0xce: {  	p4 =	sne.s32 s30, s31  }
.Ltmp1:
0xcf: {  	_ = 	snop;
	(pc) =	sbr.rel @p4 .LBB2_1-.Ltmp1, $3  }
0xd0: {  	_ =	sdelay $0x1  }
0xd1: {  	[sflag:s0] =	ssyncset.done @!p0 $0x0  }
0xd2: {  	[sflag:s0] =	ssyncadd.s32 @!p0 $0xFFFFF000  }
0xd3: {  	_ =	sfence.sel $0x180000  }
0xd4: {  	[bflag:$0x0] =	sbarrier.arrive $0xFFFF  }
0xd5: {  	_ =	strace $0x90000047  }
0xd6: {  	s0 =	stileid.u32;
	[bflag:$0x2] =	sbarrier.arrive $0xFFFF  }
0xd7: {  	p0 =	sne.s32 s0, $0x0;
	s0 =	rddreg [dreg:$0x3]  }
0xd8: {  	s0 =	sadd.s32 @!p0 $0x100000, s0  }
0xd9: {  	[sflag:s0] =	ssyncadd.tile.s32 @!p0 $0x1;
	_ =	shalt  }
.Lfunc_end2:
_tile_overlayer_lowered:
.L_overlay_start_2:
0xda: {  	(tag) =	ssettag $0x2  }
0xdb: {  	s0 =	rddreg [dreg:$0x0];
	s2 =	stileid.u32  }
0xdc: {  	s1 =	rddreg [dreg:$0x1];
	p0 =	sne.s32 s2, $0x0  }
0xdd: {  	s3 =	rddreg [dreg:$0x2];
	[bflag:$0x3] =	sbarrier.arrive $0xFFFF;
	s2 =	simm.s32 @!p0 $0x1C03  }
0xde: {  	[timem:s3], [sflag:s2] =	dma.local @!p0 [hbm:s0], s1  }
0xdf: {  	s0 =	simm.s32 @!p0 $0x3  }
0xe0: {  	_ =	swait.ge @!p0 [sflag:s0], s1  }
0xe1: {  	s1 =	ssub.s32 @!p0 $0x0, s1;
	[sflag:s0] =	ssyncset.done @!p0 $0x0  }
0xe2: {  	[sflag:s0] =	ssyncadd.s32 @!p0 s1  }
0xe3: {  	[bflag:$0x3] =	sbarrier.arrive $0xFFFF  }
0xe4: {  	_ =	shalt  }

</sc_bundles>
